<compile_context>
chip_gen: v7x
topology: tpu7x:2x2x1
jax: 0.10.2.dev20260603
libtpu: 0.0.44.dev20260713+nightly
codegen_flags: <defaults>
</compile_context>

<pallas_src>
import jax
import jax.numpy as jnp
from jax import lax
from jax.experimental import pallas as pl
from jax.experimental.pallas import tpu as pltpu
from jax.experimental.pallas import tpu_sc as plsc


def _round_up(a, b):
    return (a + b - 1) // b * b


_CP = pltpu.CompilerParams(needs_layout_passes=False, use_tc_tiling_on_sc=False)
_CPT = pltpu.CompilerParams(needs_layout_passes=False, use_tc_tiling_on_sc=True)

_G = 128


def _wid(nc):
    return lax.axis_index("s") * nc + lax.axis_index("c")


def _gather_ring(x_hbm, data_hbm, idxi_v, rows, semg, semw, base, g_hi, ng):
    def fire_gather(g, b):
        pltpu.async_copy(
            x_hbm.at[idxi_v.at[pl.ds(g * _G, _G)]], rows[b], semg[b])

    def wait_gather(b):
        pltpu.make_async_copy(
            x_hbm.at[idxi_v.at[pl.ds(0, _G)]], rows[b], semg[b]).wait()

    def wb_slice(g):
        return data_hbm.at[pl.ds(base + g * _G, _G)]

    def prologue():
        @pl.when(jnp.int32(0) < g_hi)
        def _():
            fire_gather(jnp.int32(0), 0)
        @pl.when(jnp.int32(1) < g_hi)
        def _():
            fire_gather(jnp.int32(1), 1)

    def ring(interleave=None):
        def step(g2, c):
            if interleave is not None:
                interleave(g2)
            for b in range(2):
                g = g2 * 2 + b
                @pl.when(g < g_hi)
                def _():
                    wait_gather(b)
                    pltpu.async_copy(rows[b], wb_slice(g), semw[b])
                    pltpu.make_async_copy(rows[b], wb_slice(g), semw[b]).wait()
                    @pl.when(g + 2 < g_hi)
                    def _():
                        fire_gather(g + 2, b)
            return c
        lax.fori_loop(jnp.int32(0), jnp.int32((ng + 1) // 2), step, 0)

    return prologue, ring


def _make_kernels(E, N, D, NW, NC, mesh):
    CH = _round_up(-(-E // NW), 2 * _G)
    EP = CH * NW
    NH = _round_up(N + 16, NW * 16)
    COLS = NH // NW
    IT = CH // 16
    NG = CH // _G

    def body_k1(x_hbm, idxi_hbm, idxj_hbm, local_hbm, hist_hbm, data_hbm,
                idxi_v, idxj_v, counts_v, local_v, rows0, rows1,
                semg0, semg1, semw0, semw1):
        w = _wid(NC)
        pltpu.sync_copy(idxi_hbm.at[pl.ds(w * CH, CH)], idxi_v)
        ng_w = jnp.clip(jnp.int32(E // _G) - w * NG, 0, NG)
        prologue, ring = _gather_ring(
            x_hbm, data_hbm, idxi_v, (rows0, rows1),
            (semg0, semg1), (semw0, semw1), w * CH, ng_w, NG)
        prologue()
        pltpu.sync_copy(idxj_hbm.at[pl.ds(w * CH, CH)], idxj_v)

        def zero(j, c):
            counts_v[pl.ds(j * 16, 16)] = jnp.zeros((16,), jnp.int32)
            return c
        lax.fori_loop(jnp.int32(0), jnp.int32(NH // 16), zero, 0)

        def count_step(i, c):
            v = idxj_v[pl.ds(i * 16, 16)]
            cnt, last = plsc.scan_count(v)
            base = plsc.load_gather(counts_v, [v])
            local_v[pl.ds(i * 16, 16)] = base + cnt - 1
            plsc.store_scatter(counts_v, [v], base + cnt, mask=last)
            return c

        NSTEP = (NG + 1) // 2
        IPS = IT // NSTEP

        def interleave(g3):
            lax.fori_loop(g3 * IPS, (g3 + 1) * IPS, count_step, 0)

        ring(interleave)
        lax.fori_loop(jnp.int32(IPS * NSTEP), jnp.int32(IT), count_step, 0)
        pltpu.sync_copy(local_v, local_hbm.at[pl.ds(w * CH, CH)])
        pltpu.sync_copy(counts_v, hist_hbm.at[w])

    kernel_1 = pl.kernel(
        body_k1,
        out_type=(jax.ShapeDtypeStruct((EP,), jnp.int32),
                  jax.ShapeDtypeStruct((NW, NH), jnp.int32),
                  jax.ShapeDtypeStruct((E, D), jnp.float32)),
        mesh=mesh,
        compiler_params=_CPT,
        scratch_types=[pltpu.VMEM((CH,), jnp.int32),
                       pltpu.VMEM((CH,), jnp.int32),
                       pltpu.VMEM((NH,), jnp.int32),
                       pltpu.VMEM((CH,), jnp.int32),
                       pltpu.VMEM((_G, D), jnp.float32),
                       pltpu.VMEM((_G, D), jnp.float32),
                       pltpu.SemaphoreType.DMA, pltpu.SemaphoreType.DMA,
                       pltpu.SemaphoreType.DMA, pltpu.SemaphoreType.DMA],
        name="mp_count_gather1",
    )

    def body_k2(hist_hbm, offs_hbm, blk_v):
        w = _wid(NC)
        pltpu.sync_copy(hist_hbm.at[:, pl.ds(w * COLS, COLS)], blk_v)
        for j in range(COLS // 16):
            def step(t, acc):
                new = blk_v[t, pl.ds(j * 16, 16)]
                blk_v[t, pl.ds(j * 16, 16)] = acc
                return acc + new
            lax.fori_loop(jnp.int32(0), jnp.int32(NW), step,
                          jnp.zeros((16,), jnp.int32))
        pltpu.sync_copy(blk_v, offs_hbm.at[:, pl.ds(w * COLS, COLS)])

    kernel_2 = pl.kernel(
        body_k2,
        out_type=jax.ShapeDtypeStruct((NW, NH), jnp.int32),
        mesh=mesh,
        compiler_params=_CP,
        scratch_types=[pltpu.VMEM((NW, COLS), jnp.int32)],
        name="mp_prefix",
    )

    def body_k3(idxj_hbm, local_hbm, offs_hbm, out_hbm,
                idxj_v, local_v, offrow_v, out_v):
        w = _wid(NC)
        pltpu.sync_copy(offs_hbm.at[w], offrow_v)
        pltpu.sync_copy(idxj_hbm.at[pl.ds(w * CH, CH)], idxj_v)
        pltpu.sync_copy(local_hbm.at[pl.ds(w * CH, CH)], local_v)

        def step(i, c):
            v = idxj_v[pl.ds(i * 16, 16)]
            out_v[pl.ds(i * 16, 16)] = (
                local_v[pl.ds(i * 16, 16)] + plsc.load_gather(offrow_v, [v]))
            return c
        lax.fori_loop(jnp.int32(0), jnp.int32(IT), step, 0)
        pltpu.sync_copy(out_v, out_hbm.at[pl.ds(w * CH, CH)])

    kernel_3 = pl.kernel(
        body_k3,
        out_type=jax.ShapeDtypeStruct((EP,), jnp.int32),
        mesh=mesh,
        compiler_params=_CP,
        scratch_types=[pltpu.VMEM((CH,), jnp.int32),
                       pltpu.VMEM((CH,), jnp.int32),
                       pltpu.VMEM((NH,), jnp.int32),
                       pltpu.VMEM((CH,), jnp.int32)],
        name="mp_combine",
    )
    return kernel_1, kernel_2, kernel_3, CH, EP, NH


def kernel(x, edge_index):
    N, D = x.shape
    E = edge_index.shape[0]
    info = plsc.get_sparse_core_info()
    NC, NS = info.num_cores, info.num_subcores
    NW = NC * NS
    mesh = plsc.VectorSubcoreMesh(core_axis_name="c", subcore_axis_name="s")

    kernel_1, kernel_2, kernel_3, CH, EP, NH = _make_kernels(
        E, N, D, NW, NC, mesh)

    idxi = edge_index[:, 0].astype(jnp.int32)
    idxj = edge_index[:, 1].astype(jnp.int32)
    pad = EP - E
    idxi_p = jnp.concatenate([idxi, jnp.zeros((pad,), jnp.int32)])
    idxj_p = jnp.concatenate([idxj, jnp.full((pad,), N, jnp.int32)])

    local, hist, data = kernel_1(x, idxi_p, idxj_p)
    offs = kernel_2(hist)
    idx_el = kernel_3(idxj_p, local, offs)
    idxs = jnp.concatenate(
        [edge_index[:, 1][None, :], idx_el[:E].astype(edge_index.dtype)[None, :]],
        axis=0)
    return data, idxs

# --- scband reference (transcript-rebuilt; emitter-appended) ---
"""Pipeline reference for scband-message-passing-66752381714887 (READ-ONLY COPY).

The authoritative reference and input builder live on the scoring server;
editing this copy changes nothing except your own understanding.
"""

import jax, jax.numpy as jnp
import numpy as np

jax.config.update("jax_enable_x64", True)


def running_counts(vals):
    # For each element, number of prior occurrences of the same value.
    E = vals.shape[0]
    order = jnp.argsort(vals, stable=True)
    sv = vals[order]
    pos = jnp.arange(E, dtype=vals.dtype)
    is_new = jnp.concatenate([jnp.ones((1,), dtype=bool), sv[1:] != sv[:-1]])
    # start index of each group, carried forward via cumulative max
    start = jax.lax.cummax(jnp.where(is_new, pos, jnp.zeros_like(pos)))
    counts_sorted = pos - start
    counts = jnp.zeros((E,), dtype=vals.dtype).at[order].set(counts_sorted)
    return counts


def setup_inputs(seed: int = 0) -> dict:
    key = jax.random.key(seed)
    k1, k2 = jax.random.split(key)
    N, E, D = 10000, 160000, 256
    x = jax.random.normal(k1, (N, D), dtype=jnp.float32)
    edge_index = jax.random.randint(k2, (E, 2), 0, N, dtype=jnp.int64)
    return {"x": x, "edge_index": edge_index}


def reference(x, edge_index):
    # Dense-tensor branch of MessagePassing.propagate.
    idxi = edge_index[:, 0]
    idxj = edge_index[:, 1]
    data = jnp.take(x, idxi, axis=0)          # gather source-node features per edge
    idx_el = running_counts(idxj)              # per-destination running occurrence index
    idxs = jnp.concatenate([idxj[None, :], idx_el[None, :]], axis=0)
    # HetTensor(data=data, idxs=idxs) represented as the (data, idxs) pair
    return data, idxs


if False:  # reference __main__ guard neutralized (emitter)
    out = reference(**setup_inputs())
    print(out[0].shape, out[1].shape)

if __name__ == "__main__":
    import jax
    _d = setup_inputs()
    print(jax.jit(kernel)(*tuple(_d.values())))

</pallas_src>

<mosaic_0001>
#map = affine_map<(d0, d1) -> (0, 0)>
module attributes {stable_mosaic.version = 14 : i64} {
  func.func @mp_prefix(%arg0: i32, %arg1: i32, %arg2: memref<32x10240xi32, #tpu.memory_space<hbm>>, %arg3: memref<32x10240xi32, #tpu.memory_space<hbm>>, %arg4: memref<32x320xi32, #tpu.memory_space<vmem>>) attributes {dimension_semantics = [#tpu.dimension_semantics<core_parallel>, #tpu.dimension_semantics<subcore_parallel>], iteration_bounds = array<i64: 2, 16>, scalar_prefetch = 0 : i64, scratch_operands = 1 : i64, tpu.core_type = #tpu.core_type<sc_vector_subcore>, window_params = [{transform_indices = #map}, {transform_indices = #map}]} {
    %mul3A = arith.constant 2 : i32
    %mul3A_0 = arith.muli %arg1, %mul3A : i32
    %add3A = arith.addi %mul3A_0, %arg0 : i32
    %mul3A_1 = arith.constant 320 : i32
    %mul3A_2 = arith.muli %add3A, %mul3A_1 : i32
    "tpu.region"() ({
      %run_scoped3A = tpu.sem_alloc : memref<!tpu.dma_semaphore, #tpu.memory_space<semaphore_mem>>
      %dma_start3A = arith.constant 0 : i32
      %dma_start3A_283 = tpu.memref_slice %arg2[%dma_start3A, %mul3A_2] : memref<32x10240xi32, #tpu.memory_space<hbm>> -> memref<32x320xi32, #tpu.memory_space<hbm>>
      %dma_start3A_284 = arith.constant 0 : i32
      %dma_start3A_285 = tpu.memref_slice %arg2[%dma_start3A_284, %mul3A_2] : memref<32x10240xi32, #tpu.memory_space<hbm>> -> memref<32x320xi32, #tpu.memory_space<hbm>>
      tpu.enqueue_dma source(%dma_start3A_285 : memref<32x320xi32, #tpu.memory_space<hbm>>) target(%arg4 : memref<32x320xi32, #tpu.memory_space<vmem>>) target_semaphore(%run_scoped3A : memref<!tpu.dma_semaphore, #tpu.memory_space<semaphore_mem>>)
      %dma_wait3A = arith.constant 0 : i32
      %dma_wait3A_286 = tpu.memref_slice %arg2[%dma_wait3A, %mul3A_2] : memref<32x10240xi32, #tpu.memory_space<hbm>> -> memref<32x320xi32, #tpu.memory_space<hbm>>
      %dma_wait3A_287 = arith.constant 0 : i32
      %dma_wait3A_288 = tpu.memref_slice %arg2[%dma_wait3A_287, %mul3A_2] : memref<32x10240xi32, #tpu.memory_space<hbm>> -> memref<32x320xi32, #tpu.memory_space<hbm>>
      tpu.wait_dma2 semaphore(%run_scoped3A : memref<!tpu.dma_semaphore, #tpu.memory_space<semaphore_mem>>) src(%dma_wait3A_288 : memref<32x320xi32, #tpu.memory_space<hbm>>) dst(%arg4 : memref<32x320xi32, #tpu.memory_space<vmem>>)
      tpu.yield
    }) : () -> ()
    %broadcast_in_dim3A = arith.constant 0 : i32
    %broadcast_in_dim3A_3 = vector.broadcast %broadcast_in_dim3A : i32 to vector<16xi32>
    %while3A = arith.constant 0 : i32
    %while3A_4 = arith.constant 32 : i32
    %while3A_5 = arith.subi %while3A_4, %while3A : i32
    %while3A_6 = arith.addi %while3A, %while3A_5 : i32
    %while3A_7 = arith.constant 1 : i32
    %while3A_8 = arith.divsi %while3A_5, %while3A_7 : i32
    %while3A_9 = arith.muli %while3A_8, %while3A_7 : i32
    %while3A_10 = arith.addi %while3A, %while3A_9 : i32
    %while3A_11 = arith.constant 1 : i32
    %while3A_12 = scf.for %while3A_283 = %while3A to %while3A_10 step %while3A_11 iter_args(%while3A_284 = %broadcast_in_dim3A_3) -> (vector<16xi32>)  : i32 {
      %get3A = arith.index_cast %while3A_283 : i32 to index
      %get3A_285 = arith.constant 0 : index
      %get3A_286 = tpu.vector_load %arg4[%get3A, %get3A_285] {strides = array<i32>} : memref<32x320xi32, #tpu.memory_space<vmem>>, vector<16xi32>,
      %swap3A = arith.index_cast %while3A_283 : i32 to index
      %swap3A_287 = arith.constant 0 : index
      %swap3A_288 = tpu.vector_load %arg4[%swap3A, %swap3A_287] {strides = array<i32>} : memref<32x320xi32, #tpu.memory_space<vmem>>, vector<16xi32>,
      tpu.vector_store %arg4[%swap3A, %swap3A_287], %while3A_284 {strides = array<i32>} : memref<32x320xi32, #tpu.memory_space<vmem>>, vector<16xi32>,
      %add3A_289 = arith.addi %while3A_284, %get3A_286 : vector<16xi32>
      scf.yield %add3A_289 : vector<16xi32>
    }
    %while3A_13 = arith.constant 1 : i32
    %while3A_14 = scf.for %while3A_283 = %while3A_10 to %while3A_6 step %while3A_13 iter_args(%while3A_284 = %while3A_12) -> (vector<16xi32>)  : i32 {
      %get3A = arith.index_cast %while3A_283 : i32 to index
      %get3A_285 = arith.constant 0 : index
      %get3A_286 = tpu.vector_load %arg4[%get3A, %get3A_285] {strides = array<i32>} : memref<32x320xi32, #tpu.memory_space<vmem>>, vector<16xi32>,
      %swap3A = arith.index_cast %while3A_283 : i32 to index
      %swap3A_287 = arith.constant 0 : index
      %swap3A_288 = tpu.vector_load %arg4[%swap3A, %swap3A_287] {strides = array<i32>} : memref<32x320xi32, #tpu.memory_space<vmem>>, vector<16xi32>,
      tpu.vector_store %arg4[%swap3A, %swap3A_287], %while3A_284 {strides = array<i32>} : memref<32x320xi32, #tpu.memory_space<vmem>>, vector<16xi32>,
      %add3A_289 = arith.addi %while3A_284, %get3A_286 : vector<16xi32>
      scf.yield %add3A_289 : vector<16xi32>
    }
    %broadcast_in_dim3A_15 = arith.constant 0 : i32
    %broadcast_in_dim3A_16 = vector.broadcast %broadcast_in_dim3A_15 : i32 to vector<16xi32>
    %while3A_17 = arith.constant 0 : i32
    %while3A_18 = arith.constant 32 : i32
    %while3A_19 = arith.subi %while3A_18, %while3A_17 : i32
    %while3A_20 = arith.addi %while3A_17, %while3A_19 : i32
    %while3A_21 = arith.constant 1 : i32
    %while3A_22 = arith.divsi %while3A_19, %while3A_21 : i32
    %while3A_23 = arith.muli %while3A_22, %while3A_21 : i32
    %while3A_24 = arith.addi %while3A_17, %while3A_23 : i32
    %while3A_25 = arith.constant 1 : i32
    %while3A_26 = scf.for %while3A_283 = %while3A_17 to %while3A_24 step %while3A_25 iter_args(%while3A_284 = %broadcast_in_dim3A_16) -> (vector<16xi32>)  : i32 {
      %get3A = arith.index_cast %while3A_283 : i32 to index
      %get3A_285 = arith.constant 16 : index
      %get3A_286 = tpu.vector_load %arg4[%get3A, %get3A_285] {strides = array<i32>} : memref<32x320xi32, #tpu.memory_space<vmem>>, vector<16xi32>,
      %swap3A = arith.index_cast %while3A_283 : i32 to index
      %swap3A_287 = arith.constant 16 : index
      %swap3A_288 = tpu.vector_load %arg4[%swap3A, %swap3A_287] {strides = array<i32>} : memref<32x320xi32, #tpu.memory_space<vmem>>, vector<16xi32>,
      tpu.vector_store %arg4[%swap3A, %swap3A_287], %while3A_284 {strides = array<i32>} : memref<32x320xi32, #tpu.memory_space<vmem>>, vector<16xi32>,
      %add3A_289 = arith.addi %while3A_284, %get3A_286 : vector<16xi32>
      scf.yield %add3A_289 : vector<16xi32>
    }
    %while3A_27 = arith.constant 1 : i32
    %while3A_28 = scf.for %while3A_283 = %while3A_24 to %while3A_20 step %while3A_27 iter_args(%while3A_284 = %while3A_26) -> (vector<16xi32>)  : i32 {
      %get3A = arith.index_cast %while3A_283 : i32 to index
      %get3A_285 = arith.constant 16 : index
      %get3A_286 = tpu.vector_load %arg4[%get3A, %get3A_285] {strides = array<i32>} : memref<32x320xi32, #tpu.memory_space<vmem>>, vector<16xi32>,
      %swap3A = arith.index_cast %while3A_283 : i32 to index
      %swap3A_287 = arith.constant 16 : index
      %swap3A_288 = tpu.vector_load %arg4[%swap3A, %swap3A_287] {strides = array<i32>} : memref<32x320xi32, #tpu.memory_space<vmem>>, vector<16xi32>,
      tpu.vector_store %arg4[%swap3A, %swap3A_287], %while3A_284 {strides = array<i32>} : memref<32x320xi32, #tpu.memory_space<vmem>>, vector<16xi32>,
      %add3A_289 = arith.addi %while3A_284, %get3A_286 : vector<16xi32>
      scf.yield %add3A_289 : vector<16xi32>
    }
    %broadcast_in_dim3A_29 = arith.constant 0 : i32
    %broadcast_in_dim3A_30 = vector.broadcast %broadcast_in_dim3A_29 : i32 to vector<16xi32>
    %while3A_31 = arith.constant 0 : i32
    %while3A_32 = arith.constant 32 : i32
    %while3A_33 = arith.subi %while3A_32, %while3A_31 : i32
    %while3A_34 = arith.addi %while3A_31, %while3A_33 : i32
    %while3A_35 = arith.constant 1 : i32
    %while3A_36 = arith.divsi %while3A_33, %while3A_35 : i32
    %while3A_37 = arith.muli %while3A_36, %while3A_35 : i32
    %while3A_38 = arith.addi %while3A_31, %while3A_37 : i32
    %while3A_39 = arith.constant 1 : i32
    %while3A_40 = scf.for %while3A_283 = %while3A_31 to %while3A_38 step %while3A_39 iter_args(%while3A_284 = %broadcast_in_dim3A_30) -> (vector<16xi32>)  : i32 {
      %get3A = arith.index_cast %while3A_283 : i32 to index
      %get3A_285 = arith.constant 32 : index
      %get3A_286 = tpu.vector_load %arg4[%get3A, %get3A_285] {strides = array<i32>} : memref<32x320xi32, #tpu.memory_space<vmem>>, vector<16xi32>,
      %swap3A = arith.index_cast %while3A_283 : i32 to index
      %swap3A_287 = arith.constant 32 : index
      %swap3A_288 = tpu.vector_load %arg4[%swap3A, %swap3A_287] {strides = array<i32>} : memref<32x320xi32, #tpu.memory_space<vmem>>, vector<16xi32>,
      tpu.vector_store %arg4[%swap3A, %swap3A_287], %while3A_284 {strides = array<i32>} : memref<32x320xi32, #tpu.memory_space<vmem>>, vector<16xi32>,
      %add3A_289 = arith.addi %while3A_284, %get3A_286 : vector<16xi32>
      scf.yield %add3A_289 : vector<16xi32>
    }
    %while3A_41 = arith.constant 1 : i32
    %while3A_42 = scf.for %while3A_283 = %while3A_38 to %while3A_34 step %while3A_41 iter_args(%while3A_284 = %while3A_40) -> (vector<16xi32>)  : i32 {
      %get3A = arith.index_cast %while3A_283 : i32 to index
      %get3A_285 = arith.constant 32 : index
      %get3A_286 = tpu.vector_load %arg4[%get3A, %get3A_285] {strides = array<i32>} : memref<32x320xi32, #tpu.memory_space<vmem>>, vector<16xi32>,
      %swap3A = arith.index_cast %while3A_283 : i32 to index
      %swap3A_287 = arith.constant 32 : index
      %swap3A_288 = tpu.vector_load %arg4[%swap3A, %swap3A_287] {strides = array<i32>} : memref<32x320xi32, #tpu.memory_space<vmem>>, vector<16xi32>,
      tpu.vector_store %arg4[%swap3A, %swap3A_287], %while3A_284 {strides = array<i32>} : memref<32x320xi32, #tpu.memory_space<vmem>>, vector<16xi32>,
      %add3A_289 = arith.addi %while3A_284, %get3A_286 : vector<16xi32>
      scf.yield %add3A_289 : vector<16xi32>
    }
    %broadcast_in_dim3A_43 = arith.constant 0 : i32
    %broadcast_in_dim3A_44 = vector.broadcast %broadcast_in_dim3A_43 : i32 to vector<16xi32>
    %while3A_45 = arith.constant 0 : i32
    %while3A_46 = arith.constant 32 : i32
    %while3A_47 = arith.subi %while3A_46, %while3A_45 : i32
    %while3A_48 = arith.addi %while3A_45, %while3A_47 : i32
    %while3A_49 = arith.constant 1 : i32
    %while3A_50 = arith.divsi %while3A_47, %while3A_49 : i32
    %while3A_51 = arith.muli %while3A_50, %while3A_49 : i32
    %while3A_52 = arith.addi %while3A_45, %while3A_51 : i32
    %while3A_53 = arith.constant 1 : i32
    %while3A_54 = scf.for %while3A_283 = %while3A_45 to %while3A_52 step %while3A_53 iter_args(%while3A_284 = %broadcast_in_dim3A_44) -> (vector<16xi32>)  : i32 {
      %get3A = arith.index_cast %while3A_283 : i32 to index
      %get3A_285 = arith.constant 48 : index
      %get3A_286 = tpu.vector_load %arg4[%get3A, %get3A_285] {strides = array<i32>} : memref<32x320xi32, #tpu.memory_space<vmem>>, vector<16xi32>,
      %swap3A = arith.index_cast %while3A_283 : i32 to index
      %swap3A_287 = arith.constant 48 : index
      %swap3A_288 = tpu.vector_load %arg4[%swap3A, %swap3A_287] {strides = array<i32>} : memref<32x320xi32, #tpu.memory_space<vmem>>, vector<16xi32>,
      tpu.vector_store %arg4[%swap3A, %swap3A_287], %while3A_284 {strides = array<i32>} : memref<32x320xi32, #tpu.memory_space<vmem>>, vector<16xi32>,
      %add3A_289 = arith.addi %while3A_284, %get3A_286 : vector<16xi32>
      scf.yield %add3A_289 : vector<16xi32>
    }
    %while3A_55 = arith.constant 1 : i32
    %while3A_56 = scf.for %while3A_283 = %while3A_52 to %while3A_48 step %while3A_55 iter_args(%while3A_284 = %while3A_54) -> (vector<16xi32>)  : i32 {
      %get3A = arith.index_cast %while3A_283 : i32 to index
      %get3A_285 = arith.constant 48 : index
      %get3A_286 = tpu.vector_load %arg4[%get3A, %get3A_285] {strides = array<i32>} : memref<32x320xi32, #tpu.memory_space<vmem>>, vector<16xi32>,
      %swap3A = arith.index_cast %while3A_283 : i32 to index
      %swap3A_287 = arith.constant 48 : index
      %swap3A_288 = tpu.vector_load %arg4[%swap3A, %swap3A_287] {strides = array<i32>} : memref<32x320xi32, #tpu.memory_space<vmem>>, vector<16xi32>,
      tpu.vector_store %arg4[%swap3A, %swap3A_287], %while3A_284 {strides = array<i32>} : memref<32x320xi32, #tpu.memory_space<vmem>>, vector<16xi32>,
      %add3A_289 = arith.addi %while3A_284, %get3A_286 : vector<16xi32>
      scf.yield %add3A_289 : vector<16xi32>
    }
    %broadcast_in_dim3A_57 = arith.constant 0 : i32
    %broadcast_in_dim3A_58 = vector.broadcast %broadcast_in_dim3A_57 : i32 to vector<16xi32>
    %while3A_59 = arith.constant 0 : i32
    %while3A_60 = arith.constant 32 : i32
    %while3A_61 = arith.subi %while3A_60, %while3A_59 : i32
    %while3A_62 = arith.addi %while3A_59, %while3A_61 : i32
    %while3A_63 = arith.constant 1 : i32
    %while3A_64 = arith.divsi %while3A_61, %while3A_63 : i32
    %while3A_65 = arith.muli %while3A_64, %while3A_63 : i32
    %while3A_66 = arith.addi %while3A_59, %while3A_65 : i32
    %while3A_67 = arith.constant 1 : i32
    %while3A_68 = scf.for %while3A_283 = %while3A_59 to %while3A_66 step %while3A_67 iter_args(%while3A_284 = %broadcast_in_dim3A_58) -> (vector<16xi32>)  : i32 {
      %get3A = arith.index_cast %while3A_283 : i32 to index
      %get3A_285 = arith.constant 64 : index
      %get3A_286 = tpu.vector_load %arg4[%get3A, %get3A_285] {strides = array<i32>} : memref<32x320xi32, #tpu.memory_space<vmem>>, vector<16xi32>,
      %swap3A = arith.index_cast %while3A_283 : i32 to index
      %swap3A_287 = arith.constant 64 : index
      %swap3A_288 = tpu.vector_load %arg4[%swap3A, %swap3A_287] {strides = array<i32>} : memref<32x320xi32, #tpu.memory_space<vmem>>, vector<16xi32>,
      tpu.vector_store %arg4[%swap3A, %swap3A_287], %while3A_284 {strides = array<i32>} : memref<32x320xi32, #tpu.memory_space<vmem>>, vector<16xi32>,
      %add3A_289 = arith.addi %while3A_284, %get3A_286 : vector<16xi32>
      scf.yield %add3A_289 : vector<16xi32>
    }
    %while3A_69 = arith.constant 1 : i32
    %while3A_70 = scf.for %while3A_283 = %while3A_66 to %while3A_62 step %while3A_69 iter_args(%while3A_284 = %while3A_68) -> (vector<16xi32>)  : i32 {
      %get3A = arith.index_cast %while3A_283 : i32 to index
      %get3A_285 = arith.constant 64 : index
      %get3A_286 = tpu.vector_load %arg4[%get3A, %get3A_285] {strides = array<i32>} : memref<32x320xi32, #tpu.memory_space<vmem>>, vector<16xi32>,
      %swap3A = arith.index_cast %while3A_283 : i32 to index
      %swap3A_287 = arith.constant 64 : index
      %swap3A_288 = tpu.vector_load %arg4[%swap3A, %swap3A_287] {strides = array<i32>} : memref<32x320xi32, #tpu.memory_space<vmem>>, vector<16xi32>,
      tpu.vector_store %arg4[%swap3A, %swap3A_287], %while3A_284 {strides = array<i32>} : memref<32x320xi32, #tpu.memory_space<vmem>>, vector<16xi32>,
      %add3A_289 = arith.addi %while3A_284, %get3A_286 : vector<16xi32>
      scf.yield %add3A_289 : vector<16xi32>
    }
    %broadcast_in_dim3A_71 = arith.constant 0 : i32
    %broadcast_in_dim3A_72 = vector.broadcast %broadcast_in_dim3A_71 : i32 to vector<16xi32>
    %while3A_73 = arith.constant 0 : i32
    %while3A_74 = arith.constant 32 : i32
    %while3A_75 = arith.subi %while3A_74, %while3A_73 : i32
    %while3A_76 = arith.addi %while3A_73, %while3A_75 : i32
    %while3A_77 = arith.constant 1 : i32
    %while3A_78 = arith.divsi %while3A_75, %while3A_77 : i32
    %while3A_79 = arith.muli %while3A_78, %while3A_77 : i32
    %while3A_80 = arith.addi %while3A_73, %while3A_79 : i32
    %while3A_81 = arith.constant 1 : i32
    %while3A_82 = scf.for %while3A_283 = %while3A_73 to %while3A_80 step %while3A_81 iter_args(%while3A_284 = %broadcast_in_dim3A_72) -> (vector<16xi32>)  : i32 {
      %get3A = arith.index_cast %while3A_283 : i32 to index
      %get3A_285 = arith.constant 80 : index
      %get3A_286 = tpu.vector_load %arg4[%get3A, %get3A_285] {strides = array<i32>} : memref<32x320xi32, #tpu.memory_space<vmem>>, vector<16xi32>,
      %swap3A = arith.index_cast %while3A_283 : i32 to index
      %swap3A_287 = arith.constant 80 : index
      %swap3A_288 = tpu.vector_load %arg4[%swap3A, %swap3A_287] {strides = array<i32>} : memref<32x320xi32, #tpu.memory_space<vmem>>, vector<16xi32>,
      tpu.vector_store %arg4[%swap3A, %swap3A_287], %while3A_284 {strides = array<i32>} : memref<32x320xi32, #tpu.memory_space<vmem>>, vector<16xi32>,
      %add3A_289 = arith.addi %while3A_284, %get3A_286 : vector<16xi32>
      scf.yield %add3A_289 : vector<16xi32>
    }
    %while3A_83 = arith.constant 1 : i32
    %while3A_84 = scf.for %while3A_283 = %while3A_80 to %while3A_76 step %while3A_83 iter_args(%while3A_284 = %while3A_82) -> (vector<16xi32>)  : i32 {
      %get3A = arith.index_cast %while3A_283 : i32 to index
      %get3A_285 = arith.constant 80 : index
      %get3A_286 = tpu.vector_load %arg4[%get3A, %get3A_285] {strides = array<i32>} : memref<32x320xi32, #tpu.memory_space<vmem>>, vector<16xi32>,
      %swap3A = arith.index_cast %while3A_283 : i32 to index
      %swap3A_287 = arith.constant 80 : index
      %swap3A_288 = tpu.vector_load %arg4[%swap3A, %swap3A_287] {strides = array<i32>} : memref<32x320xi32, #tpu.memory_space<vmem>>, vector<16xi32>,
      tpu.vector_store %arg4[%swap3A, %swap3A_287], %while3A_284 {strides = array<i32>} : memref<32x320xi32, #tpu.memory_space<vmem>>, vector<16xi32>,
      %add3A_289 = arith.addi %while3A_284, %get3A_286 : vector<16xi32>
      scf.yield %add3A_289 : vector<16xi32>
    }
    %broadcast_in_dim3A_85 = arith.constant 0 : i32
    %broadcast_in_dim3A_86 = vector.broadcast %broadcast_in_dim3A_85 : i32 to vector<16xi32>
    %while3A_87 = arith.constant 0 : i32
    %while3A_88 = arith.constant 32 : i32
    %while3A_89 = arith.subi %while3A_88, %while3A_87 : i32
    %while3A_90 = arith.addi %while3A_87, %while3A_89 : i32
    %while3A_91 = arith.constant 1 : i32
    %while3A_92 = arith.divsi %while3A_89, %while3A_91 : i32
    %while3A_93 = arith.muli %while3A_92, %while3A_91 : i32
    %while3A_94 = arith.addi %while3A_87, %while3A_93 : i32
    %while3A_95 = arith.constant 1 : i32
    %while3A_96 = scf.for %while3A_283 = %while3A_87 to %while3A_94 step %while3A_95 iter_args(%while3A_284 = %broadcast_in_dim3A_86) -> (vector<16xi32>)  : i32 {
      %get3A = arith.index_cast %while3A_283 : i32 to index
      %get3A_285 = arith.constant 96 : index
      %get3A_286 = tpu.vector_load %arg4[%get3A, %get3A_285] {strides = array<i32>} : memref<32x320xi32, #tpu.memory_space<vmem>>, vector<16xi32>,
      %swap3A = arith.index_cast %while3A_283 : i32 to index
      %swap3A_287 = arith.constant 96 : index
      %swap3A_288 = tpu.vector_load %arg4[%swap3A, %swap3A_287] {strides = array<i32>} : memref<32x320xi32, #tpu.memory_space<vmem>>, vector<16xi32>,
      tpu.vector_store %arg4[%swap3A, %swap3A_287], %while3A_284 {strides = array<i32>} : memref<32x320xi32, #tpu.memory_space<vmem>>, vector<16xi32>,
      %add3A_289 = arith.addi %while3A_284, %get3A_286 : vector<16xi32>
      scf.yield %add3A_289 : vector<16xi32>
    }
    %while3A_97 = arith.constant 1 : i32
    %while3A_98 = scf.for %while3A_283 = %while3A_94 to %while3A_90 step %while3A_97 iter_args(%while3A_284 = %while3A_96) -> (vector<16xi32>)  : i32 {
      %get3A = arith.index_cast %while3A_283 : i32 to index
      %get3A_285 = arith.constant 96 : index
      %get3A_286 = tpu.vector_load %arg4[%get3A, %get3A_285] {strides = array<i32>} : memref<32x320xi32, #tpu.memory_space<vmem>>, vector<16xi32>,
      %swap3A = arith.index_cast %while3A_283 : i32 to index
      %swap3A_287 = arith.constant 96 : index
      %swap3A_288 = tpu.vector_load %arg4[%swap3A, %swap3A_287] {strides = array<i32>} : memref<32x320xi32, #tpu.memory_space<vmem>>, vector<16xi32>,
      tpu.vector_store %arg4[%swap3A, %swap3A_287], %while3A_284 {strides = array<i32>} : memref<32x320xi32, #tpu.memory_space<vmem>>, vector<16xi32>,
      %add3A_289 = arith.addi %while3A_284, %get3A_286 : vector<16xi32>
      scf.yield %add3A_289 : vector<16xi32>
    }
    %broadcast_in_dim3A_99 = arith.constant 0 : i32
    %broadcast_in_dim3A_100 = vector.broadcast %broadcast_in_dim3A_99 : i32 to vector<16xi32>
    %while3A_101 = arith.constant 0 : i32
    %while3A_102 = arith.constant 32 : i32
    %while3A_103 = arith.subi %while3A_102, %while3A_101 : i32
    %while3A_104 = arith.addi %while3A_101, %while3A_103 : i32
    %while3A_105 = arith.constant 1 : i32
    %while3A_106 = arith.divsi %while3A_103, %while3A_105 : i32
    %while3A_107 = arith.muli %while3A_106, %while3A_105 : i32
    %while3A_108 = arith.addi %while3A_101, %while3A_107 : i32
    %while3A_109 = arith.constant 1 : i32
    %while3A_110 = scf.for %while3A_283 = %while3A_101 to %while3A_108 step %while3A_109 iter_args(%while3A_284 = %broadcast_in_dim3A_100) -> (vector<16xi32>)  : i32 {
      %get3A = arith.index_cast %while3A_283 : i32 to index
      %get3A_285 = arith.constant 112 : index
      %get3A_286 = tpu.vector_load %arg4[%get3A, %get3A_285] {strides = array<i32>} : memref<32x320xi32, #tpu.memory_space<vmem>>, vector<16xi32>,
      %swap3A = arith.index_cast %while3A_283 : i32 to index
      %swap3A_287 = arith.constant 112 : index
      %swap3A_288 = tpu.vector_load %arg4[%swap3A, %swap3A_287] {strides = array<i32>} : memref<32x320xi32, #tpu.memory_space<vmem>>, vector<16xi32>,
      tpu.vector_store %arg4[%swap3A, %swap3A_287], %while3A_284 {strides = array<i32>} : memref<32x320xi32, #tpu.memory_space<vmem>>, vector<16xi32>,
      %add3A_289 = arith.addi %while3A_284, %get3A_286 : vector<16xi32>
      scf.yield %add3A_289 : vector<16xi32>
    }
    %while3A_111 = arith.constant 1 : i32
    %while3A_112 = scf.for %while3A_283 = %while3A_108 to %while3A_104 step %while3A_111 iter_args(%while3A_284 = %while3A_110) -> (vector<16xi32>)  : i32 {
      %get3A = arith.index_cast %while3A_283 : i32 to index
      %get3A_285 = arith.constant 112 : index
      %get3A_286 = tpu.vector_load %arg4[%get3A, %get3A_285] {strides = array<i32>} : memref<32x320xi32, #tpu.memory_space<vmem>>, vector<16xi32>,
      %swap3A = arith.index_cast %while3A_283 : i32 to index
      %swap3A_287 = arith.constant 112 : index
      %swap3A_288 = tpu.vector_load %arg4[%swap3A, %swap3A_287] {strides = array<i32>} : memref<32x320xi32, #tpu.memory_space<vmem>>, vector<16xi32>,
      tpu.vector_store %arg4[%swap3A, %swap3A_287], %while3A_284 {strides = array<i32>} : memref<32x320xi32, #tpu.memory_space<vmem>>, vector<16xi32>,
      %add3A_289 = arith.addi %while3A_284, %get3A_286 : vector<16xi32>
      scf.yield %add3A_289 : vector<16xi32>
    }
    %broadcast_in_dim3A_113 = arith.constant 0 : i32
    %broadcast_in_dim3A_114 = vector.broadcast %broadcast_in_dim3A_113 : i32 to vector<16xi32>
    %while3A_115 = arith.constant 0 : i32
    %while3A_116 = arith.constant 32 : i32
    %while3A_117 = arith.subi %while3A_116, %while3A_115 : i32
    %while3A_118 = arith.addi %while3A_115, %while3A_117 : i32
    %while3A_119 = arith.constant 1 : i32
    %while3A_120 = arith.divsi %while3A_117, %while3A_119 : i32
    %while3A_121 = arith.muli %while3A_120, %while3A_119 : i32
    %while3A_122 = arith.addi %while3A_115, %while3A_121 : i32
    %while3A_123 = arith.constant 1 : i32
    %while3A_124 = scf.for %while3A_283 = %while3A_115 to %while3A_122 step %while3A_123 iter_args(%while3A_284 = %broadcast_in_dim3A_114) -> (vector<16xi32>)  : i32 {
      %get3A = arith.index_cast %while3A_283 : i32 to index
      %get3A_285 = arith.constant 128 : index
      %get3A_286 = tpu.vector_load %arg4[%get3A, %get3A_285] {strides = array<i32>} : memref<32x320xi32, #tpu.memory_space<vmem>>, vector<16xi32>,
      %swap3A = arith.index_cast %while3A_283 : i32 to index
      %swap3A_287 = arith.constant 128 : index
      %swap3A_288 = tpu.vector_load %arg4[%swap3A, %swap3A_287] {strides = array<i32>} : memref<32x320xi32, #tpu.memory_space<vmem>>, vector<16xi32>,
      tpu.vector_store %arg4[%swap3A, %swap3A_287], %while3A_284 {strides = array<i32>} : memref<32x320xi32, #tpu.memory_space<vmem>>, vector<16xi32>,
      %add3A_289 = arith.addi %while3A_284, %get3A_286 : vector<16xi32>
      scf.yield %add3A_289 : vector<16xi32>
    }
    %while3A_125 = arith.constant 1 : i32
    %while3A_126 = scf.for %while3A_283 = %while3A_122 to %while3A_118 step %while3A_125 iter_args(%while3A_284 = %while3A_124) -> (vector<16xi32>)  : i32 {
      %get3A = arith.index_cast %while3A_283 : i32 to index
      %get3A_285 = arith.constant 128 : index
      %get3A_286 = tpu.vector_load %arg4[%get3A, %get3A_285] {strides = array<i32>} : memref<32x320xi32, #tpu.memory_space<vmem>>, vector<16xi32>,
      %swap3A = arith.index_cast %while3A_283 : i32 to index
      %swap3A_287 = arith.constant 128 : index
      %swap3A_288 = tpu.vector_load %arg4[%swap3A, %swap3A_287] {strides = array<i32>} : memref<32x320xi32, #tpu.memory_space<vmem>>, vector<16xi32>,
      tpu.vector_store %arg4[%swap3A, %swap3A_287], %while3A_284 {strides = array<i32>} : memref<32x320xi32, #tpu.memory_space<vmem>>, vector<16xi32>,
      %add3A_289 = arith.addi %while3A_284, %get3A_286 : vector<16xi32>
      scf.yield %add3A_289 : vector<16xi32>
    }
    %broadcast_in_dim3A_127 = arith.constant 0 : i32
    %broadcast_in_dim3A_128 = vector.broadcast %broadcast_in_dim3A_127 : i32 to vector<16xi32>
    %while3A_129 = arith.constant 0 : i32
    %while3A_130 = arith.constant 32 : i32
    %while3A_131 = arith.subi %while3A_130, %while3A_129 : i32
    %while3A_132 = arith.addi %while3A_129, %while3A_131 : i32
    %while3A_133 = arith.constant 1 : i32
    %while3A_134 = arith.divsi %while3A_131, %while3A_133 : i32
    %while3A_135 = arith.muli %while3A_134, %while3A_133 : i32
    %while3A_136 = arith.addi %while3A_129, %while3A_135 : i32
    %while3A_137 = arith.constant 1 : i32
    %while3A_138 = scf.for %while3A_283 = %while3A_129 to %while3A_136 step %while3A_137 iter_args(%while3A_284 = %broadcast_in_dim3A_128) -> (vector<16xi32>)  : i32 {
      %get3A = arith.index_cast %while3A_283 : i32 to index
      %get3A_285 = arith.constant 144 : index
      %get3A_286 = tpu.vector_load %arg4[%get3A, %get3A_285] {strides = array<i32>} : memref<32x320xi32, #tpu.memory_space<vmem>>, vector<16xi32>,
      %swap3A = arith.index_cast %while3A_283 : i32 to index
      %swap3A_287 = arith.constant 144 : index
      %swap3A_288 = tpu.vector_load %arg4[%swap3A, %swap3A_287] {strides = array<i32>} : memref<32x320xi32, #tpu.memory_space<vmem>>, vector<16xi32>,
      tpu.vector_store %arg4[%swap3A, %swap3A_287], %while3A_284 {strides = array<i32>} : memref<32x320xi32, #tpu.memory_space<vmem>>, vector<16xi32>,
      %add3A_289 = arith.addi %while3A_284, %get3A_286 : vector<16xi32>
      scf.yield %add3A_289 : vector<16xi32>
    }
    %while3A_139 = arith.constant 1 : i32
    %while3A_140 = scf.for %while3A_283 = %while3A_136 to %while3A_132 step %while3A_139 iter_args(%while3A_284 = %while3A_138) -> (vector<16xi32>)  : i32 {
      %get3A = arith.index_cast %while3A_283 : i32 to index
      %get3A_285 = arith.constant 144 : index
      %get3A_286 = tpu.vector_load %arg4[%get3A, %get3A_285] {strides = array<i32>} : memref<32x320xi32, #tpu.memory_space<vmem>>, vector<16xi32>,
      %swap3A = arith.index_cast %while3A_283 : i32 to index
      %swap3A_287 = arith.constant 144 : index
      %swap3A_288 = tpu.vector_load %arg4[%swap3A, %swap3A_287] {strides = array<i32>} : memref<32x320xi32, #tpu.memory_space<vmem>>, vector<16xi32>,
      tpu.vector_store %arg4[%swap3A, %swap3A_287], %while3A_284 {strides = array<i32>} : memref<32x320xi32, #tpu.memory_space<vmem>>, vector<16xi32>,
      %add3A_289 = arith.addi %while3A_284, %get3A_286 : vector<16xi32>
      scf.yield %add3A_289 : vector<16xi32>
    }
    %broadcast_in_dim3A_141 = arith.constant 0 : i32
    %broadcast_in_dim3A_142 = vector.broadcast %broadcast_in_dim3A_141 : i32 to vector<16xi32>
    %while3A_143 = arith.constant 0 : i32
    %while3A_144 = arith.constant 32 : i32
    %while3A_145 = arith.subi %while3A_144, %while3A_143 : i32
    %while3A_146 = arith.addi %while3A_143, %while3A_145 : i32
    %while3A_147 = arith.constant 1 : i32
    %while3A_148 = arith.divsi %while3A_145, %while3A_147 : i32
    %while3A_149 = arith.muli %while3A_148, %while3A_147 : i32
    %while3A_150 = arith.addi %while3A_143, %while3A_149 : i32
    %while3A_151 = arith.constant 1 : i32
    %while3A_152 = scf.for %while3A_283 = %while3A_143 to %while3A_150 step %while3A_151 iter_args(%while3A_284 = %broadcast_in_dim3A_142) -> (vector<16xi32>)  : i32 {
      %get3A = arith.index_cast %while3A_283 : i32 to index
      %get3A_285 = arith.constant 160 : index
      %get3A_286 = tpu.vector_load %arg4[%get3A, %get3A_285] {strides = array<i32>} : memref<32x320xi32, #tpu.memory_space<vmem>>, vector<16xi32>,
      %swap3A = arith.index_cast %while3A_283 : i32 to index
      %swap3A_287 = arith.constant 160 : index
      %swap3A_288 = tpu.vector_load %arg4[%swap3A, %swap3A_287] {strides = array<i32>} : memref<32x320xi32, #tpu.memory_space<vmem>>, vector<16xi32>,
      tpu.vector_store %arg4[%swap3A, %swap3A_287], %while3A_284 {strides = array<i32>} : memref<32x320xi32, #tpu.memory_space<vmem>>, vector<16xi32>,
      %add3A_289 = arith.addi %while3A_284, %get3A_286 : vector<16xi32>
      scf.yield %add3A_289 : vector<16xi32>
    }
    %while3A_153 = arith.constant 1 : i32
    %while3A_154 = scf.for %while3A_283 = %while3A_150 to %while3A_146 step %while3A_153 iter_args(%while3A_284 = %while3A_152) -> (vector<16xi32>)  : i32 {
      %get3A = arith.index_cast %while3A_283 : i32 to index
      %get3A_285 = arith.constant 160 : index
      %get3A_286 = tpu.vector_load %arg4[%get3A, %get3A_285] {strides = array<i32>} : memref<32x320xi32, #tpu.memory_space<vmem>>, vector<16xi32>,
      %swap3A = arith.index_cast %while3A_283 : i32 to index
      %swap3A_287 = arith.constant 160 : index
      %swap3A_288 = tpu.vector_load %arg4[%swap3A, %swap3A_287] {strides = array<i32>} : memref<32x320xi32, #tpu.memory_space<vmem>>, vector<16xi32>,
      tpu.vector_store %arg4[%swap3A, %swap3A_287], %while3A_284 {strides = array<i32>} : memref<32x320xi32, #tpu.memory_space<vmem>>, vector<16xi32>,
      %add3A_289 = arith.addi %while3A_284, %get3A_286 : vector<16xi32>
      scf.yield %add3A_289 : vector<16xi32>
    }
    %broadcast_in_dim3A_155 = arith.constant 0 : i32
    %broadcast_in_dim3A_156 = vector.broadcast %broadcast_in_dim3A_155 : i32 to vector<16xi32>
    %while3A_157 = arith.constant 0 : i32
    %while3A_158 = arith.constant 32 : i32
    %while3A_159 = arith.subi %while3A_158, %while3A_157 : i32
    %while3A_160 = arith.addi %while3A_157, %while3A_159 : i32
    %while3A_161 = arith.constant 1 : i32
    %while3A_162 = arith.divsi %while3A_159, %while3A_161 : i32
    %while3A_163 = arith.muli %while3A_162, %while3A_161 : i32
    %while3A_164 = arith.addi %while3A_157, %while3A_163 : i32
    %while3A_165 = arith.constant 1 : i32
    %while3A_166 = scf.for %while3A_283 = %while3A_157 to %while3A_164 step %while3A_165 iter_args(%while3A_284 = %broadcast_in_dim3A_156) -> (vector<16xi32>)  : i32 {
      %get3A = arith.index_cast %while3A_283 : i32 to index
      %get3A_285 = arith.constant 176 : index
      %get3A_286 = tpu.vector_load %arg4[%get3A, %get3A_285] {strides = array<i32>} : memref<32x320xi32, #tpu.memory_space<vmem>>, vector<16xi32>,
      %swap3A = arith.index_cast %while3A_283 : i32 to index
      %swap3A_287 = arith.constant 176 : index
      %swap3A_288 = tpu.vector_load %arg4[%swap3A, %swap3A_287] {strides = array<i32>} : memref<32x320xi32, #tpu.memory_space<vmem>>, vector<16xi32>,
      tpu.vector_store %arg4[%swap3A, %swap3A_287], %while3A_284 {strides = array<i32>} : memref<32x320xi32, #tpu.memory_space<vmem>>, vector<16xi32>,
      %add3A_289 = arith.addi %while3A_284, %get3A_286 : vector<16xi32>
      scf.yield %add3A_289 : vector<16xi32>
    }
    %while3A_167 = arith.constant 1 : i32
    %while3A_168 = scf.for %while3A_283 = %while3A_164 to %while3A_160 step %while3A_167 iter_args(%while3A_284 = %while3A_166) -> (vector<16xi32>)  : i32 {
      %get3A = arith.index_cast %while3A_283 : i32 to index
      %get3A_285 = arith.constant 176 : index
      %get3A_286 = tpu.vector_load %arg4[%get3A, %get3A_285] {strides = array<i32>} : memref<32x320xi32, #tpu.memory_space<vmem>>, vector<16xi32>,
      %swap3A = arith.index_cast %while3A_283 : i32 to index
      %swap3A_287 = arith.constant 176 : index
      %swap3A_288 = tpu.vector_load %arg4[%swap3A, %swap3A_287] {strides = array<i32>} : memref<32x320xi32, #tpu.memory_space<vmem>>, vector<16xi32>,
      tpu.vector_store %arg4[%swap3A, %swap3A_287], %while3A_284 {strides = array<i32>} : memref<32x320xi32, #tpu.memory_space<vmem>>, vector<16xi32>,
      %add3A_289 = arith.addi %while3A_284, %get3A_286 : vector<16xi32>
      scf.yield %add3A_289 : vector<16xi32>
    }
    %broadcast_in_dim3A_169 = arith.constant 0 : i32
    %broadcast_in_dim3A_170 = vector.broadcast %broadcast_in_dim3A_169 : i32 to vector<16xi32>
    %while3A_171 = arith.constant 0 : i32
    %while3A_172 = arith.constant 32 : i32
    %while3A_173 = arith.subi %while3A_172, %while3A_171 : i32
    %while3A_174 = arith.addi %while3A_171, %while3A_173 : i32
    %while3A_175 = arith.constant 1 : i32
    %while3A_176 = arith.divsi %while3A_173, %while3A_175 : i32
    %while3A_177 = arith.muli %while3A_176, %while3A_175 : i32
    %while3A_178 = arith.addi %while3A_171, %while3A_177 : i32
    %while3A_179 = arith.constant 1 : i32
    %while3A_180 = scf.for %while3A_283 = %while3A_171 to %while3A_178 step %while3A_179 iter_args(%while3A_284 = %broadcast_in_dim3A_170) -> (vector<16xi32>)  : i32 {
      %get3A = arith.index_cast %while3A_283 : i32 to index
      %get3A_285 = arith.constant 192 : index
      %get3A_286 = tpu.vector_load %arg4[%get3A, %get3A_285] {strides = array<i32>} : memref<32x320xi32, #tpu.memory_space<vmem>>, vector<16xi32>,
      %swap3A = arith.index_cast %while3A_283 : i32 to index
      %swap3A_287 = arith.constant 192 : index
      %swap3A_288 = tpu.vector_load %arg4[%swap3A, %swap3A_287] {strides = array<i32>} : memref<32x320xi32, #tpu.memory_space<vmem>>, vector<16xi32>,
      tpu.vector_store %arg4[%swap3A, %swap3A_287], %while3A_284 {strides = array<i32>} : memref<32x320xi32, #tpu.memory_space<vmem>>, vector<16xi32>,
      %add3A_289 = arith.addi %while3A_284, %get3A_286 : vector<16xi32>
      scf.yield %add3A_289 : vector<16xi32>
    }
    %while3A_181 = arith.constant 1 : i32
    %while3A_182 = scf.for %while3A_283 = %while3A_178 to %while3A_174 step %while3A_181 iter_args(%while3A_284 = %while3A_180) -> (vector<16xi32>)  : i32 {
      %get3A = arith.index_cast %while3A_283 : i32 to index
      %get3A_285 = arith.constant 192 : index
      %get3A_286 = tpu.vector_load %arg4[%get3A, %get3A_285] {strides = array<i32>} : memref<32x320xi32, #tpu.memory_space<vmem>>, vector<16xi32>,
      %swap3A = arith.index_cast %while3A_283 : i32 to index
      %swap3A_287 = arith.constant 192 : index
      %swap3A_288 = tpu.vector_load %arg4[%swap3A, %swap3A_287] {strides = array<i32>} : memref<32x320xi32, #tpu.memory_space<vmem>>, vector<16xi32>,
      tpu.vector_store %arg4[%swap3A, %swap3A_287], %while3A_284 {strides = array<i32>} : memref<32x320xi32, #tpu.memory_space<vmem>>, vector<16xi32>,
      %add3A_289 = arith.addi %while3A_284, %get3A_286 : vector<16xi32>
      scf.yield %add3A_289 : vector<16xi32>
    }
    %broadcast_in_dim3A_183 = arith.constant 0 : i32
    %broadcast_in_dim3A_184 = vector.broadcast %broadcast_in_dim3A_183 : i32 to vector<16xi32>
    %while3A_185 = arith.constant 0 : i32
    %while3A_186 = arith.constant 32 : i32
    %while3A_187 = arith.subi %while3A_186, %while3A_185 : i32
    %while3A_188 = arith.addi %while3A_185, %while3A_187 : i32
    %while3A_189 = arith.constant 1 : i32
    %while3A_190 = arith.divsi %while3A_187, %while3A_189 : i32
    %while3A_191 = arith.muli %while3A_190, %while3A_189 : i32
    %while3A_192 = arith.addi %while3A_185, %while3A_191 : i32
    %while3A_193 = arith.constant 1 : i32
    %while3A_194 = scf.for %while3A_283 = %while3A_185 to %while3A_192 step %while3A_193 iter_args(%while3A_284 = %broadcast_in_dim3A_184) -> (vector<16xi32>)  : i32 {
      %get3A = arith.index_cast %while3A_283 : i32 to index
      %get3A_285 = arith.constant 208 : index
      %get3A_286 = tpu.vector_load %arg4[%get3A, %get3A_285] {strides = array<i32>} : memref<32x320xi32, #tpu.memory_space<vmem>>, vector<16xi32>,
      %swap3A = arith.index_cast %while3A_283 : i32 to index
      %swap3A_287 = arith.constant 208 : index
      %swap3A_288 = tpu.vector_load %arg4[%swap3A, %swap3A_287] {strides = array<i32>} : memref<32x320xi32, #tpu.memory_space<vmem>>, vector<16xi32>,
      tpu.vector_store %arg4[%swap3A, %swap3A_287], %while3A_284 {strides = array<i32>} : memref<32x320xi32, #tpu.memory_space<vmem>>, vector<16xi32>,
      %add3A_289 = arith.addi %while3A_284, %get3A_286 : vector<16xi32>
      scf.yield %add3A_289 : vector<16xi32>
    }
    %while3A_195 = arith.constant 1 : i32
    %while3A_196 = scf.for %while3A_283 = %while3A_192 to %while3A_188 step %while3A_195 iter_args(%while3A_284 = %while3A_194) -> (vector<16xi32>)  : i32 {
      %get3A = arith.index_cast %while3A_283 : i32 to index
      %get3A_285 = arith.constant 208 : index
      %get3A_286 = tpu.vector_load %arg4[%get3A, %get3A_285] {strides = array<i32>} : memref<32x320xi32, #tpu.memory_space<vmem>>, vector<16xi32>,
      %swap3A = arith.index_cast %while3A_283 : i32 to index
      %swap3A_287 = arith.constant 208 : index
      %swap3A_288 = tpu.vector_load %arg4[%swap3A, %swap3A_287] {strides = array<i32>} : memref<32x320xi32, #tpu.memory_space<vmem>>, vector<16xi32>,
      tpu.vector_store %arg4[%swap3A, %swap3A_287], %while3A_284 {strides = array<i32>} : memref<32x320xi32, #tpu.memory_space<vmem>>, vector<16xi32>,
      %add3A_289 = arith.addi %while3A_284, %get3A_286 : vector<16xi32>
      scf.yield %add3A_289 : vector<16xi32>
    }
    %broadcast_in_dim3A_197 = arith.constant 0 : i32
    %broadcast_in_dim3A_198 = vector.broadcast %broadcast_in_dim3A_197 : i32 to vector<16xi32>
    %while3A_199 = arith.constant 0 : i32
    %while3A_200 = arith.constant 32 : i32
    %while3A_201 = arith.subi %while3A_200, %while3A_199 : i32
    %while3A_202 = arith.addi %while3A_199, %while3A_201 : i32
    %while3A_203 = arith.constant 1 : i32
    %while3A_204 = arith.divsi %while3A_201, %while3A_203 : i32
    %while3A_205 = arith.muli %while3A_204, %while3A_203 : i32
    %while3A_206 = arith.addi %while3A_199, %while3A_205 : i32
    %while3A_207 = arith.constant 1 : i32
    %while3A_208 = scf.for %while3A_283 = %while3A_199 to %while3A_206 step %while3A_207 iter_args(%while3A_284 = %broadcast_in_dim3A_198) -> (vector<16xi32>)  : i32 {
      %get3A = arith.index_cast %while3A_283 : i32 to index
      %get3A_285 = arith.constant 224 : index
      %get3A_286 = tpu.vector_load %arg4[%get3A, %get3A_285] {strides = array<i32>} : memref<32x320xi32, #tpu.memory_space<vmem>>, vector<16xi32>,
      %swap3A = arith.index_cast %while3A_283 : i32 to index
      %swap3A_287 = arith.constant 224 : index
      %swap3A_288 = tpu.vector_load %arg4[%swap3A, %swap3A_287] {strides = array<i32>} : memref<32x320xi32, #tpu.memory_space<vmem>>, vector<16xi32>,
      tpu.vector_store %arg4[%swap3A, %swap3A_287], %while3A_284 {strides = array<i32>} : memref<32x320xi32, #tpu.memory_space<vmem>>, vector<16xi32>,
      %add3A_289 = arith.addi %while3A_284, %get3A_286 : vector<16xi32>
      scf.yield %add3A_289 : vector<16xi32>
    }
    %while3A_209 = arith.constant 1 : i32
    %while3A_210 = scf.for %while3A_283 = %while3A_206 to %while3A_202 step %while3A_209 iter_args(%while3A_284 = %while3A_208) -> (vector<16xi32>)  : i32 {
      %get3A = arith.index_cast %while3A_283 : i32 to index
      %get3A_285 = arith.constant 224 : index
      %get3A_286 = tpu.vector_load %arg4[%get3A, %get3A_285] {strides = array<i32>} : memref<32x320xi32, #tpu.memory_space<vmem>>, vector<16xi32>,
      %swap3A = arith.index_cast %while3A_283 : i32 to index
      %swap3A_287 = arith.constant 224 : index
      %swap3A_288 = tpu.vector_load %arg4[%swap3A, %swap3A_287] {strides = array<i32>} : memref<32x320xi32, #tpu.memory_space<vmem>>, vector<16xi32>,
      tpu.vector_store %arg4[%swap3A, %swap3A_287], %while3A_284 {strides = array<i32>} : memref<32x320xi32, #tpu.memory_space<vmem>>, vector<16xi32>,
      %add3A_289 = arith.addi %while3A_284, %get3A_286 : vector<16xi32>
      scf.yield %add3A_289 : vector<16xi32>
    }
    %broadcast_in_dim3A_211 = arith.constant 0 : i32
    %broadcast_in_dim3A_212 = vector.broadcast %broadcast_in_dim3A_211 : i32 to vector<16xi32>
    %while3A_213 = arith.constant 0 : i32
    %while3A_214 = arith.constant 32 : i32
    %while3A_215 = arith.subi %while3A_214, %while3A_213 : i32
    %while3A_216 = arith.addi %while3A_213, %while3A_215 : i32
    %while3A_217 = arith.constant 1 : i32
    %while3A_218 = arith.divsi %while3A_215, %while3A_217 : i32
    %while3A_219 = arith.muli %while3A_218, %while3A_217 : i32
    %while3A_220 = arith.addi %while3A_213, %while3A_219 : i32
    %while3A_221 = arith.constant 1 : i32
    %while3A_222 = scf.for %while3A_283 = %while3A_213 to %while3A_220 step %while3A_221 iter_args(%while3A_284 = %broadcast_in_dim3A_212) -> (vector<16xi32>)  : i32 {
      %get3A = arith.index_cast %while3A_283 : i32 to index
      %get3A_285 = arith.constant 240 : index
      %get3A_286 = tpu.vector_load %arg4[%get3A, %get3A_285] {strides = array<i32>} : memref<32x320xi32, #tpu.memory_space<vmem>>, vector<16xi32>,
      %swap3A = arith.index_cast %while3A_283 : i32 to index
      %swap3A_287 = arith.constant 240 : index
      %swap3A_288 = tpu.vector_load %arg4[%swap3A, %swap3A_287] {strides = array<i32>} : memref<32x320xi32, #tpu.memory_space<vmem>>, vector<16xi32>,
      tpu.vector_store %arg4[%swap3A, %swap3A_287], %while3A_284 {strides = array<i32>} : memref<32x320xi32, #tpu.memory_space<vmem>>, vector<16xi32>,
      %add3A_289 = arith.addi %while3A_284, %get3A_286 : vector<16xi32>
      scf.yield %add3A_289 : vector<16xi32>
    }
    %while3A_223 = arith.constant 1 : i32
    %while3A_224 = scf.for %while3A_283 = %while3A_220 to %while3A_216 step %while3A_223 iter_args(%while3A_284 = %while3A_222) -> (vector<16xi32>)  : i32 {
      %get3A = arith.index_cast %while3A_283 : i32 to index
      %get3A_285 = arith.constant 240 : index
      %get3A_286 = tpu.vector_load %arg4[%get3A, %get3A_285] {strides = array<i32>} : memref<32x320xi32, #tpu.memory_space<vmem>>, vector<16xi32>,
      %swap3A = arith.index_cast %while3A_283 : i32 to index
      %swap3A_287 = arith.constant 240 : index
      %swap3A_288 = tpu.vector_load %arg4[%swap3A, %swap3A_287] {strides = array<i32>} : memref<32x320xi32, #tpu.memory_space<vmem>>, vector<16xi32>,
      tpu.vector_store %arg4[%swap3A, %swap3A_287], %while3A_284 {strides = array<i32>} : memref<32x320xi32, #tpu.memory_space<vmem>>, vector<16xi32>,
      %add3A_289 = arith.addi %while3A_284, %get3A_286 : vector<16xi32>
      scf.yield %add3A_289 : vector<16xi32>
    }
    %broadcast_in_dim3A_225 = arith.constant 0 : i32
    %broadcast_in_dim3A_226 = vector.broadcast %broadcast_in_dim3A_225 : i32 to vector<16xi32>
    %while3A_227 = arith.constant 0 : i32
    %while3A_228 = arith.constant 32 : i32
    %while3A_229 = arith.subi %while3A_228, %while3A_227 : i32
    %while3A_230 = arith.addi %while3A_227, %while3A_229 : i32
    %while3A_231 = arith.constant 1 : i32
    %while3A_232 = arith.divsi %while3A_229, %while3A_231 : i32
    %while3A_233 = arith.muli %while3A_232, %while3A_231 : i32
    %while3A_234 = arith.addi %while3A_227, %while3A_233 : i32
    %while3A_235 = arith.constant 1 : i32
    %while3A_236 = scf.for %while3A_283 = %while3A_227 to %while3A_234 step %while3A_235 iter_args(%while3A_284 = %broadcast_in_dim3A_226) -> (vector<16xi32>)  : i32 {
      %get3A = arith.index_cast %while3A_283 : i32 to index
      %get3A_285 = arith.constant 256 : index
      %get3A_286 = tpu.vector_load %arg4[%get3A, %get3A_285] {strides = array<i32>} : memref<32x320xi32, #tpu.memory_space<vmem>>, vector<16xi32>,
      %swap3A = arith.index_cast %while3A_283 : i32 to index
      %swap3A_287 = arith.constant 256 : index
      %swap3A_288 = tpu.vector_load %arg4[%swap3A, %swap3A_287] {strides = array<i32>} : memref<32x320xi32, #tpu.memory_space<vmem>>, vector<16xi32>,
      tpu.vector_store %arg4[%swap3A, %swap3A_287], %while3A_284 {strides = array<i32>} : memref<32x320xi32, #tpu.memory_space<vmem>>, vector<16xi32>,
      %add3A_289 = arith.addi %while3A_284, %get3A_286 : vector<16xi32>
      scf.yield %add3A_289 : vector<16xi32>
    }
    %while3A_237 = arith.constant 1 : i32
    %while3A_238 = scf.for %while3A_283 = %while3A_234 to %while3A_230 step %while3A_237 iter_args(%while3A_284 = %while3A_236) -> (vector<16xi32>)  : i32 {
      %get3A = arith.index_cast %while3A_283 : i32 to index
      %get3A_285 = arith.constant 256 : index
      %get3A_286 = tpu.vector_load %arg4[%get3A, %get3A_285] {strides = array<i32>} : memref<32x320xi32, #tpu.memory_space<vmem>>, vector<16xi32>,
      %swap3A = arith.index_cast %while3A_283 : i32 to index
      %swap3A_287 = arith.constant 256 : index
      %swap3A_288 = tpu.vector_load %arg4[%swap3A, %swap3A_287] {strides = array<i32>} : memref<32x320xi32, #tpu.memory_space<vmem>>, vector<16xi32>,
      tpu.vector_store %arg4[%swap3A, %swap3A_287], %while3A_284 {strides = array<i32>} : memref<32x320xi32, #tpu.memory_space<vmem>>, vector<16xi32>,
      %add3A_289 = arith.addi %while3A_284, %get3A_286 : vector<16xi32>
      scf.yield %add3A_289 : vector<16xi32>
    }
    %broadcast_in_dim3A_239 = arith.constant 0 : i32
    %broadcast_in_dim3A_240 = vector.broadcast %broadcast_in_dim3A_239 : i32 to vector<16xi32>
    %while3A_241 = arith.constant 0 : i32
    %while3A_242 = arith.constant 32 : i32
    %while3A_243 = arith.subi %while3A_242, %while3A_241 : i32
    %while3A_244 = arith.addi %while3A_241, %while3A_243 : i32
    %while3A_245 = arith.constant 1 : i32
    %while3A_246 = arith.divsi %while3A_243, %while3A_245 : i32
    %while3A_247 = arith.muli %while3A_246, %while3A_245 : i32
    %while3A_248 = arith.addi %while3A_241, %while3A_247 : i32
    %while3A_249 = arith.constant 1 : i32
    %while3A_250 = scf.for %while3A_283 = %while3A_241 to %while3A_248 step %while3A_249 iter_args(%while3A_284 = %broadcast_in_dim3A_240) -> (vector<16xi32>)  : i32 {
      %get3A = arith.index_cast %while3A_283 : i32 to index
      %get3A_285 = arith.constant 272 : index
      %get3A_286 = tpu.vector_load %arg4[%get3A, %get3A_285] {strides = array<i32>} : memref<32x320xi32, #tpu.memory_space<vmem>>, vector<16xi32>,
      %swap3A = arith.index_cast %while3A_283 : i32 to index
      %swap3A_287 = arith.constant 272 : index
      %swap3A_288 = tpu.vector_load %arg4[%swap3A, %swap3A_287] {strides = array<i32>} : memref<32x320xi32, #tpu.memory_space<vmem>>, vector<16xi32>,
      tpu.vector_store %arg4[%swap3A, %swap3A_287], %while3A_284 {strides = array<i32>} : memref<32x320xi32, #tpu.memory_space<vmem>>, vector<16xi32>,
      %add3A_289 = arith.addi %while3A_284, %get3A_286 : vector<16xi32>
      scf.yield %add3A_289 : vector<16xi32>
    }
    %while3A_251 = arith.constant 1 : i32
    %while3A_252 = scf.for %while3A_283 = %while3A_248 to %while3A_244 step %while3A_251 iter_args(%while3A_284 = %while3A_250) -> (vector<16xi32>)  : i32 {
      %get3A = arith.index_cast %while3A_283 : i32 to index
      %get3A_285 = arith.constant 272 : index
      %get3A_286 = tpu.vector_load %arg4[%get3A, %get3A_285] {strides = array<i32>} : memref<32x320xi32, #tpu.memory_space<vmem>>, vector<16xi32>,
      %swap3A = arith.index_cast %while3A_283 : i32 to index
      %swap3A_287 = arith.constant 272 : index
      %swap3A_288 = tpu.vector_load %arg4[%swap3A, %swap3A_287] {strides = array<i32>} : memref<32x320xi32, #tpu.memory_space<vmem>>, vector<16xi32>,
      tpu.vector_store %arg4[%swap3A, %swap3A_287], %while3A_284 {strides = array<i32>} : memref<32x320xi32, #tpu.memory_space<vmem>>, vector<16xi32>,
      %add3A_289 = arith.addi %while3A_284, %get3A_286 : vector<16xi32>
      scf.yield %add3A_289 : vector<16xi32>
    }
    %broadcast_in_dim3A_253 = arith.constant 0 : i32
    %broadcast_in_dim3A_254 = vector.broadcast %broadcast_in_dim3A_253 : i32 to vector<16xi32>
    %while3A_255 = arith.constant 0 : i32
    %while3A_256 = arith.constant 32 : i32
    %while3A_257 = arith.subi %while3A_256, %while3A_255 : i32
    %while3A_258 = arith.addi %while3A_255, %while3A_257 : i32
    %while3A_259 = arith.constant 1 : i32
    %while3A_260 = arith.divsi %while3A_257, %while3A_259 : i32
    %while3A_261 = arith.muli %while3A_260, %while3A_259 : i32
    %while3A_262 = arith.addi %while3A_255, %while3A_261 : i32
    %while3A_263 = arith.constant 1 : i32
    %while3A_264 = scf.for %while3A_283 = %while3A_255 to %while3A_262 step %while3A_263 iter_args(%while3A_284 = %broadcast_in_dim3A_254) -> (vector<16xi32>)  : i32 {
      %get3A = arith.index_cast %while3A_283 : i32 to index
      %get3A_285 = arith.constant 288 : index
      %get3A_286 = tpu.vector_load %arg4[%get3A, %get3A_285] {strides = array<i32>} : memref<32x320xi32, #tpu.memory_space<vmem>>, vector<16xi32>,
      %swap3A = arith.index_cast %while3A_283 : i32 to index
      %swap3A_287 = arith.constant 288 : index
      %swap3A_288 = tpu.vector_load %arg4[%swap3A, %swap3A_287] {strides = array<i32>} : memref<32x320xi32, #tpu.memory_space<vmem>>, vector<16xi32>,
      tpu.vector_store %arg4[%swap3A, %swap3A_287], %while3A_284 {strides = array<i32>} : memref<32x320xi32, #tpu.memory_space<vmem>>, vector<16xi32>,
      %add3A_289 = arith.addi %while3A_284, %get3A_286 : vector<16xi32>
      scf.yield %add3A_289 : vector<16xi32>
    }
    %while3A_265 = arith.constant 1 : i32
    %while3A_266 = scf.for %while3A_283 = %while3A_262 to %while3A_258 step %while3A_265 iter_args(%while3A_284 = %while3A_264) -> (vector<16xi32>)  : i32 {
      %get3A = arith.index_cast %while3A_283 : i32 to index
      %get3A_285 = arith.constant 288 : index
      %get3A_286 = tpu.vector_load %arg4[%get3A, %get3A_285] {strides = array<i32>} : memref<32x320xi32, #tpu.memory_space<vmem>>, vector<16xi32>,
      %swap3A = arith.index_cast %while3A_283 : i32 to index
      %swap3A_287 = arith.constant 288 : index
      %swap3A_288 = tpu.vector_load %arg4[%swap3A, %swap3A_287] {strides = array<i32>} : memref<32x320xi32, #tpu.memory_space<vmem>>, vector<16xi32>,
      tpu.vector_store %arg4[%swap3A, %swap3A_287], %while3A_284 {strides = array<i32>} : memref<32x320xi32, #tpu.memory_space<vmem>>, vector<16xi32>,
      %add3A_289 = arith.addi %while3A_284, %get3A_286 : vector<16xi32>
      scf.yield %add3A_289 : vector<16xi32>
    }
    %broadcast_in_dim3A_267 = arith.constant 0 : i32
    %broadcast_in_dim3A_268 = vector.broadcast %broadcast_in_dim3A_267 : i32 to vector<16xi32>
    %while3A_269 = arith.constant 0 : i32
    %while3A_270 = arith.constant 32 : i32
    %while3A_271 = arith.subi %while3A_270, %while3A_269 : i32
    %while3A_272 = arith.addi %while3A_269, %while3A_271 : i32
    %while3A_273 = arith.constant 1 : i32
    %while3A_274 = arith.divsi %while3A_271, %while3A_273 : i32
    %while3A_275 = arith.muli %while3A_274, %while3A_273 : i32
    %while3A_276 = arith.addi %while3A_269, %while3A_275 : i32
    %while3A_277 = arith.constant 1 : i32
    %while3A_278 = scf.for %while3A_283 = %while3A_269 to %while3A_276 step %while3A_277 iter_args(%while3A_284 = %broadcast_in_dim3A_268) -> (vector<16xi32>)  : i32 {
      %get3A = arith.index_cast %while3A_283 : i32 to index
      %get3A_285 = arith.constant 304 : index
      %get3A_286 = tpu.vector_load %arg4[%get3A, %get3A_285] {strides = array<i32>} : memref<32x320xi32, #tpu.memory_space<vmem>>, vector<16xi32>,
      %swap3A = arith.index_cast %while3A_283 : i32 to index
      %swap3A_287 = arith.constant 304 : index
      %swap3A_288 = tpu.vector_load %arg4[%swap3A, %swap3A_287] {strides = array<i32>} : memref<32x320xi32, #tpu.memory_space<vmem>>, vector<16xi32>,
      tpu.vector_store %arg4[%swap3A, %swap3A_287], %while3A_284 {strides = array<i32>} : memref<32x320xi32, #tpu.memory_space<vmem>>, vector<16xi32>,
      %add3A_289 = arith.addi %while3A_284, %get3A_286 : vector<16xi32>
      scf.yield %add3A_289 : vector<16xi32>
    }
    %while3A_279 = arith.constant 1 : i32
    %while3A_280 = scf.for %while3A_283 = %while3A_276 to %while3A_272 step %while3A_279 iter_args(%while3A_284 = %while3A_278) -> (vector<16xi32>)  : i32 {
      %get3A = arith.index_cast %while3A_283 : i32 to index
      %get3A_285 = arith.constant 304 : index
      %get3A_286 = tpu.vector_load %arg4[%get3A, %get3A_285] {strides = array<i32>} : memref<32x320xi32, #tpu.memory_space<vmem>>, vector<16xi32>,
      %swap3A = arith.index_cast %while3A_283 : i32 to index
      %swap3A_287 = arith.constant 304 : index
      %swap3A_288 = tpu.vector_load %arg4[%swap3A, %swap3A_287] {strides = array<i32>} : memref<32x320xi32, #tpu.memory_space<vmem>>, vector<16xi32>,
      tpu.vector_store %arg4[%swap3A, %swap3A_287], %while3A_284 {strides = array<i32>} : memref<32x320xi32, #tpu.memory_space<vmem>>, vector<16xi32>,
      %add3A_289 = arith.addi %while3A_284, %get3A_286 : vector<16xi32>
      scf.yield %add3A_289 : vector<16xi32>
    }
    %mul3A_281 = arith.constant 320 : i32
    %mul3A_282 = arith.muli %add3A, %mul3A_281 : i32
    "tpu.region"() ({
      %run_scoped3A = tpu.sem_alloc : memref<!tpu.dma_semaphore, #tpu.memory_space<semaphore_mem>>
      %dma_start3A = arith.constant 0 : i32
      %dma_start3A_283 = tpu.memref_slice %arg3[%dma_start3A, %mul3A_282] : memref<32x10240xi32, #tpu.memory_space<hbm>> -> memref<32x320xi32, #tpu.memory_space<hbm>>
      %dma_start3A_284 = arith.constant 0 : i32
      %dma_start3A_285 = tpu.memref_slice %arg3[%dma_start3A_284, %mul3A_282] : memref<32x10240xi32, #tpu.memory_space<hbm>> -> memref<32x320xi32, #tpu.memory_space<hbm>>
      tpu.enqueue_dma source(%arg4 : memref<32x320xi32, #tpu.memory_space<vmem>>) target(%dma_start3A_285 : memref<32x320xi32, #tpu.memory_space<hbm>>) target_semaphore(%run_scoped3A : memref<!tpu.dma_semaphore, #tpu.memory_space<semaphore_mem>>)
      %dma_wait3A = arith.constant 0 : i32
      %dma_wait3A_286 = tpu.memref_slice %arg3[%dma_wait3A, %mul3A_282] : memref<32x10240xi32, #tpu.memory_space<hbm>> -> memref<32x320xi32, #tpu.memory_space<hbm>>
      %dma_wait3A_287 = arith.constant 0 : i32
      %dma_wait3A_288 = tpu.memref_slice %arg3[%dma_wait3A_287, %mul3A_282] : memref<32x10240xi32, #tpu.memory_space<hbm>> -> memref<32x320xi32, #tpu.memory_space<hbm>>
      tpu.wait_dma2 semaphore(%run_scoped3A : memref<!tpu.dma_semaphore, #tpu.memory_space<semaphore_mem>>) src(%arg4 : memref<32x320xi32, #tpu.memory_space<vmem>>) dst(%dma_wait3A_288 : memref<32x320xi32, #tpu.memory_space<hbm>>)
      tpu.yield
    }) : () -> ()
    return
  }
}

#map = affine_map<(d0, d1) -> (0)>
#map1 = affine_map<(d0, d1) -> (0, 0)>
module attributes {stable_mosaic.version = 14 : i64} {
  func.func @mp_combine(%arg0: i32, %arg1: i32, %arg2: memref<163840xi32, #tpu.memory_space<hbm>>, %arg3: memref<163840xi32, #tpu.memory_space<hbm>>, %arg4: memref<32x10240xi32, #tpu.memory_space<hbm>>, %arg5: memref<163840xi32, #tpu.memory_space<hbm>>, %arg6: memref<5120xi32, #tpu.memory_space<vmem>>, %arg7: memref<5120xi32, #tpu.memory_space<vmem>>, %arg8: memref<10240xi32, #tpu.memory_space<vmem>>, %arg9: memref<5120xi32, #tpu.memory_space<vmem>>) attributes {dimension_semantics = [#tpu.dimension_semantics<core_parallel>, #tpu.dimension_semantics<subcore_parallel>], iteration_bounds = array<i64: 2, 16>, scalar_prefetch = 0 : i64, scratch_operands = 4 : i64, tpu.core_type = #tpu.core_type<sc_vector_subcore>, window_params = [{transform_indices = #map}, {transform_indices = #map}, {transform_indices = #map1}, {transform_indices = #map}]} {
    %mul3A = arith.constant 2 : i32
    %mul3A_0 = arith.muli %arg1, %mul3A : i32
    %add3A = arith.addi %mul3A_0, %arg0 : i32
    "tpu.region"() ({
      %run_scoped3A = tpu.sem_alloc : memref<!tpu.dma_semaphore, #tpu.memory_space<semaphore_mem>>
      %dma_start3A = arith.constant 0 : i32
      %dma_start3A_17 = tpu.memref_slice %arg4[%add3A, %dma_start3A] : memref<32x10240xi32, #tpu.memory_space<hbm>> -> memref<1x10240xi32, #tpu.memory_space<hbm>>
      %dma_start3A_18 = tpu.memref_squeeze %dma_start3A_17 : memref<1x10240xi32, #tpu.memory_space<hbm>> -> memref<10240xi32, #tpu.memory_space<hbm>>
      %dma_start3A_19 = arith.constant 0 : i32
      %dma_start3A_20 = tpu.memref_slice %arg4[%add3A, %dma_start3A_19] : memref<32x10240xi32, #tpu.memory_space<hbm>> -> memref<1x10240xi32, #tpu.memory_space<hbm>>
      %dma_start3A_21 = tpu.memref_squeeze %dma_start3A_20 : memref<1x10240xi32, #tpu.memory_space<hbm>> -> memref<10240xi32, #tpu.memory_space<hbm>>
      tpu.enqueue_dma source(%dma_start3A_21 : memref<10240xi32, #tpu.memory_space<hbm>>) target(%arg8 : memref<10240xi32, #tpu.memory_space<vmem>>) target_semaphore(%run_scoped3A : memref<!tpu.dma_semaphore, #tpu.memory_space<semaphore_mem>>)
      %dma_wait3A = arith.constant 0 : i32
      %dma_wait3A_22 = tpu.memref_slice %arg4[%add3A, %dma_wait3A] : memref<32x10240xi32, #tpu.memory_space<hbm>> -> memref<1x10240xi32, #tpu.memory_space<hbm>>
      %dma_wait3A_23 = tpu.memref_squeeze %dma_wait3A_22 : memref<1x10240xi32, #tpu.memory_space<hbm>> -> memref<10240xi32, #tpu.memory_space<hbm>>
      %dma_wait3A_24 = arith.constant 0 : i32
      %dma_wait3A_25 = tpu.memref_slice %arg4[%add3A, %dma_wait3A_24] : memref<32x10240xi32, #tpu.memory_space<hbm>> -> memref<1x10240xi32, #tpu.memory_space<hbm>>
      %dma_wait3A_26 = tpu.memref_squeeze %dma_wait3A_25 : memref<1x10240xi32, #tpu.memory_space<hbm>> -> memref<10240xi32, #tpu.memory_space<hbm>>
      tpu.wait_dma2 semaphore(%run_scoped3A : memref<!tpu.dma_semaphore, #tpu.memory_space<semaphore_mem>>) src(%dma_wait3A_26 : memref<10240xi32, #tpu.memory_space<hbm>>) dst(%arg8 : memref<10240xi32, #tpu.memory_space<vmem>>)
      tpu.yield
    }) : () -> ()
    %mul3A_1 = arith.constant 5120 : i32
    %mul3A_2 = arith.muli %add3A, %mul3A_1 : i32
    "tpu.region"() ({
      %run_scoped3A = tpu.sem_alloc : memref<!tpu.dma_semaphore, #tpu.memory_space<semaphore_mem>>
      %dma_start3A = tpu.memref_slice %arg2[%mul3A_2] : memref<163840xi32, #tpu.memory_space<hbm>> -> memref<5120xi32, #tpu.memory_space<hbm>>
      %dma_start3A_17 = tpu.memref_slice %arg2[%mul3A_2] : memref<163840xi32, #tpu.memory_space<hbm>> -> memref<5120xi32, #tpu.memory_space<hbm>>
      tpu.enqueue_dma source(%dma_start3A_17 : memref<5120xi32, #tpu.memory_space<hbm>>) target(%arg6 : memref<5120xi32, #tpu.memory_space<vmem>>) target_semaphore(%run_scoped3A : memref<!tpu.dma_semaphore, #tpu.memory_space<semaphore_mem>>)
      %dma_wait3A = tpu.memref_slice %arg2[%mul3A_2] : memref<163840xi32, #tpu.memory_space<hbm>> -> memref<5120xi32, #tpu.memory_space<hbm>>
      %dma_wait3A_18 = tpu.memref_slice %arg2[%mul3A_2] : memref<163840xi32, #tpu.memory_space<hbm>> -> memref<5120xi32, #tpu.memory_space<hbm>>
      tpu.wait_dma2 semaphore(%run_scoped3A : memref<!tpu.dma_semaphore, #tpu.memory_space<semaphore_mem>>) src(%dma_wait3A_18 : memref<5120xi32, #tpu.memory_space<hbm>>) dst(%arg6 : memref<5120xi32, #tpu.memory_space<vmem>>)
      tpu.yield
    }) : () -> ()
    %mul3A_3 = arith.constant 5120 : i32
    %mul3A_4 = arith.muli %add3A, %mul3A_3 : i32
    "tpu.region"() ({
      %run_scoped3A = tpu.sem_alloc : memref<!tpu.dma_semaphore, #tpu.memory_space<semaphore_mem>>
      %dma_start3A = tpu.memref_slice %arg3[%mul3A_4] : memref<163840xi32, #tpu.memory_space<hbm>> -> memref<5120xi32, #tpu.memory_space<hbm>>
      %dma_start3A_17 = tpu.memref_slice %arg3[%mul3A_4] : memref<163840xi32, #tpu.memory_space<hbm>> -> memref<5120xi32, #tpu.memory_space<hbm>>
      tpu.enqueue_dma source(%dma_start3A_17 : memref<5120xi32, #tpu.memory_space<hbm>>) target(%arg7 : memref<5120xi32, #tpu.memory_space<vmem>>) target_semaphore(%run_scoped3A : memref<!tpu.dma_semaphore, #tpu.memory_space<semaphore_mem>>)
      %dma_wait3A = tpu.memref_slice %arg3[%mul3A_4] : memref<163840xi32, #tpu.memory_space<hbm>> -> memref<5120xi32, #tpu.memory_space<hbm>>
      %dma_wait3A_18 = tpu.memref_slice %arg3[%mul3A_4] : memref<163840xi32, #tpu.memory_space<hbm>> -> memref<5120xi32, #tpu.memory_space<hbm>>
      tpu.wait_dma2 semaphore(%run_scoped3A : memref<!tpu.dma_semaphore, #tpu.memory_space<semaphore_mem>>) src(%dma_wait3A_18 : memref<5120xi32, #tpu.memory_space<hbm>>) dst(%arg7 : memref<5120xi32, #tpu.memory_space<vmem>>)
      tpu.yield
    }) : () -> ()
    %while3A = arith.constant 0 : i64
    %while3A_5 = arith.constant 0 : i32
    %while3A_6 = arith.constant 320 : i32
    %while3A_7 = arith.subi %while3A_6, %while3A_5 : i32
    %while3A_8 = arith.addi %while3A_5, %while3A_7 : i32
    %while3A_9 = arith.constant 1 : i32
    %while3A_10 = arith.divsi %while3A_7, %while3A_9 : i32
    %while3A_11 = arith.muli %while3A_10, %while3A_9 : i32
    %while3A_12 = arith.addi %while3A_5, %while3A_11 : i32
    %while3A_13 = arith.constant 1 : i32
    scf.for %while3A_17 = %while3A_5 to %while3A_12 step %while3A_13  : i32 {
      %mul3A_18 = arith.constant 16 : i32
      %mul3A_19 = arith.muli %while3A_17, %mul3A_18 : i32
      %get3A = arith.index_cast %mul3A_19 : i32 to index
      %get3A_20 = tpu.vector_load %arg6[%get3A] {strides = array<i32>} : memref<5120xi32, #tpu.memory_space<vmem>>, vector<16xi32>,
      %mul3A_21 = arith.constant 16 : i32
      %mul3A_22 = arith.muli %while3A_17, %mul3A_21 : i32
      %get3A_23 = arith.index_cast %mul3A_22 : i32 to index
      %get3A_24 = tpu.vector_load %arg7[%get3A_23] {strides = array<i32>} : memref<5120xi32, #tpu.memory_space<vmem>>, vector<16xi32>,
      %gather3A = tpu.vector_load_idx %arg8[%get3A_20] : memref<10240xi32, #tpu.memory_space<vmem>>[vector<16xi32>], vector<16xi32>,
      %add3A_25 = arith.addi %get3A_24, %gather3A : vector<16xi32>
      %mul3A_26 = arith.constant 16 : i32
      %mul3A_27 = arith.muli %while3A_17, %mul3A_26 : i32
      %swap3A = arith.index_cast %mul3A_27 : i32 to index
      %swap3A_28 = tpu.vector_load %arg9[%swap3A] {strides = array<i32>} : memref<5120xi32, #tpu.memory_space<vmem>>, vector<16xi32>,
      tpu.vector_store %arg9[%swap3A], %add3A_25 {strides = array<i32>} : memref<5120xi32, #tpu.memory_space<vmem>>, vector<16xi32>,
    }
    %while3A_14 = arith.constant 1 : i32
    scf.for %while3A_17 = %while3A_12 to %while3A_8 step %while3A_14  : i32 {
      %mul3A_18 = arith.constant 16 : i32
      %mul3A_19 = arith.muli %while3A_17, %mul3A_18 : i32
      %get3A = arith.index_cast %mul3A_19 : i32 to index
      %get3A_20 = tpu.vector_load %arg6[%get3A] {strides = array<i32>} : memref<5120xi32, #tpu.memory_space<vmem>>, vector<16xi32>,
      %mul3A_21 = arith.constant 16 : i32
      %mul3A_22 = arith.muli %while3A_17, %mul3A_21 : i32
      %get3A_23 = arith.index_cast %mul3A_22 : i32 to index
      %get3A_24 = tpu.vector_load %arg7[%get3A_23] {strides = array<i32>} : memref<5120xi32, #tpu.memory_space<vmem>>, vector<16xi32>,
      %gather3A = tpu.vector_load_idx %arg8[%get3A_20] : memref<10240xi32, #tpu.memory_space<vmem>>[vector<16xi32>], vector<16xi32>,
      %add3A_25 = arith.addi %get3A_24, %gather3A : vector<16xi32>
      %mul3A_26 = arith.constant 16 : i32
      %mul3A_27 = arith.muli %while3A_17, %mul3A_26 : i32
      %swap3A = arith.index_cast %mul3A_27 : i32 to index
      %swap3A_28 = tpu.vector_load %arg9[%swap3A] {strides = array<i32>} : memref<5120xi32, #tpu.memory_space<vmem>>, vector<16xi32>,
      tpu.vector_store %arg9[%swap3A], %add3A_25 {strides = array<i32>} : memref<5120xi32, #tpu.memory_space<vmem>>, vector<16xi32>,
    }
    %mul3A_15 = arith.constant 5120 : i32
    %mul3A_16 = arith.muli %add3A, %mul3A_15 : i32
    "tpu.region"() ({
      %run_scoped3A = tpu.sem_alloc : memref<!tpu.dma_semaphore, #tpu.memory_space<semaphore_mem>>
      %dma_start3A = tpu.memref_slice %arg5[%mul3A_16] : memref<163840xi32, #tpu.memory_space<hbm>> -> memref<5120xi32, #tpu.memory_space<hbm>>
      %dma_start3A_17 = tpu.memref_slice %arg5[%mul3A_16] : memref<163840xi32, #tpu.memory_space<hbm>> -> memref<5120xi32, #tpu.memory_space<hbm>>
      tpu.enqueue_dma source(%arg9 : memref<5120xi32, #tpu.memory_space<vmem>>) target(%dma_start3A_17 : memref<5120xi32, #tpu.memory_space<hbm>>) target_semaphore(%run_scoped3A : memref<!tpu.dma_semaphore, #tpu.memory_space<semaphore_mem>>)
      %dma_wait3A = tpu.memref_slice %arg5[%mul3A_16] : memref<163840xi32, #tpu.memory_space<hbm>> -> memref<5120xi32, #tpu.memory_space<hbm>>
      %dma_wait3A_18 = tpu.memref_slice %arg5[%mul3A_16] : memref<163840xi32, #tpu.memory_space<hbm>> -> memref<5120xi32, #tpu.memory_space<hbm>>
      tpu.wait_dma2 semaphore(%run_scoped3A : memref<!tpu.dma_semaphore, #tpu.memory_space<semaphore_mem>>) src(%arg9 : memref<5120xi32, #tpu.memory_space<vmem>>) dst(%dma_wait3A_18 : memref<5120xi32, #tpu.memory_space<hbm>>)
      tpu.yield
    }) : () -> ()
    return
  }
}

#map = affine_map<(d0, d1) -> (0, 0)>
#map1 = affine_map<(d0, d1) -> (0)>
module attributes {stable_mosaic.version = 14 : i64} {
  func.func @mp_count_gather1(%arg0: i32, %arg1: i32, %arg2: memref<10000x256xf32, #tpu.memory_space<hbm>>, %arg3: memref<163840xi32, #tpu.memory_space<hbm>>, %arg4: memref<163840xi32, #tpu.memory_space<hbm>>, %arg5: memref<163840xi32, #tpu.memory_space<hbm>>, %arg6: memref<32x10240xi32, #tpu.memory_space<hbm>>, %arg7: memref<160000x256xf32, #tpu.memory_space<hbm>>, %arg8: memref<5120xi32, #tpu.memory_space<vmem>>, %arg9: memref<5120xi32, #tpu.memory_space<vmem>>, %arg10: memref<10240xi32, #tpu.memory_space<vmem>>, %arg11: memref<5120xi32, #tpu.memory_space<vmem>>, %arg12: memref<128x256xf32, #tpu.memory_space<vmem>>, %arg13: memref<128x256xf32, #tpu.memory_space<vmem>>, %arg14: memref<!tpu.dma_semaphore, #tpu.memory_space<semaphore_mem>>, %arg15: memref<!tpu.dma_semaphore, #tpu.memory_space<semaphore_mem>>, %arg16: memref<!tpu.dma_semaphore, #tpu.memory_space<semaphore_mem>>, %arg17: memref<!tpu.dma_semaphore, #tpu.memory_space<semaphore_mem>>) attributes {dimension_semantics = [#tpu.dimension_semantics<core_parallel>, #tpu.dimension_semantics<subcore_parallel>], iteration_bounds = array<i64: 2, 16>, scalar_prefetch = 0 : i64, scratch_operands = 10 : i64, tpu.core_type = #tpu.core_type<sc_vector_subcore>, window_params = [{transform_indices = #map}, {transform_indices = #map1}, {transform_indices = #map1}, {transform_indices = #map1}, {transform_indices = #map}, {transform_indices = #map}]} {
    %mul3A = arith.constant 2 : i32
    %mul3A_0 = arith.muli %arg1, %mul3A : i32
    %add3A = arith.addi %mul3A_0, %arg0 : i32
    %mul3A_1 = arith.constant 5120 : i32
    %mul3A_2 = arith.muli %add3A, %mul3A_1 : i32
    "tpu.region"() ({
      %run_scoped3A = tpu.sem_alloc : memref<!tpu.dma_semaphore, #tpu.memory_space<semaphore_mem>>
      %dma_start3A = tpu.memref_slice %arg3[%mul3A_2] : memref<163840xi32, #tpu.memory_space<hbm>> -> memref<5120xi32, #tpu.memory_space<hbm>>
      %dma_start3A_54 = tpu.memref_slice %arg3[%mul3A_2] : memref<163840xi32, #tpu.memory_space<hbm>> -> memref<5120xi32, #tpu.memory_space<hbm>>
      tpu.enqueue_dma source(%dma_start3A_54 : memref<5120xi32, #tpu.memory_space<hbm>>) target(%arg8 : memref<5120xi32, #tpu.memory_space<vmem>>) target_semaphore(%run_scoped3A : memref<!tpu.dma_semaphore, #tpu.memory_space<semaphore_mem>>)
      %dma_wait3A = tpu.memref_slice %arg3[%mul3A_2] : memref<163840xi32, #tpu.memory_space<hbm>> -> memref<5120xi32, #tpu.memory_space<hbm>>
      %dma_wait3A_55 = tpu.memref_slice %arg3[%mul3A_2] : memref<163840xi32, #tpu.memory_space<hbm>> -> memref<5120xi32, #tpu.memory_space<hbm>>
      tpu.wait_dma2 semaphore(%run_scoped3A : memref<!tpu.dma_semaphore, #tpu.memory_space<semaphore_mem>>) src(%dma_wait3A_55 : memref<5120xi32, #tpu.memory_space<hbm>>) dst(%arg8 : memref<5120xi32, #tpu.memory_space<vmem>>)
      tpu.yield
    }) : () -> ()
    %mul3A_3 = arith.constant 40 : i32
    %mul3A_4 = arith.muli %add3A, %mul3A_3 : i32
    %sub3A = arith.constant 1250 : i32
    %sub3A_5 = arith.subi %sub3A, %mul3A_4 : i32
    %jit3A = arith.constant 0 : i64
    %jit3A_6 = arith.constant 40 : i64
    %convert_element_type3A = arith.trunci %jit3A : i64 to i32
    %max3A = arith.maxsi %convert_element_type3A, %sub3A_5 : i32
    %convert_element_type3A_7 = arith.trunci %jit3A_6 : i64 to i32
    %min3A = arith.minsi %convert_element_type3A_7, %max3A : i32
    %mul3A_8 = arith.constant 5120 : i32
    %mul3A_9 = arith.muli %add3A, %mul3A_8 : i32
    %lt3A = arith.constant 0 : i32
    %lt3A_10 = arith.cmpi slt, %lt3A, %min3A : i32
    %convert_element_type3A_11 = arith.extui %lt3A_10 : i1 to i32
    %cond3A = arith.constant 0 : i32
    %cond3A_12 = arith.cmpi ne, %convert_element_type3A_11, %cond3A : i32
    scf.if %cond3A_12 {
      %mul3A_54 = arith.constant 0 : i32
      %mul3A_55 = arith.constant 128 : i32
      %mul3A_56 = arith.muli %mul3A_54, %mul3A_55 : i32
      %dma_start3A = tpu.memref_slice %arg8[%mul3A_56] : memref<5120xi32, #tpu.memory_space<vmem>> -> memref<128xi32, #tpu.memory_space<vmem>>
      %dma_start3A_57 = arith.constant 0 : i32
      %dma_start3A_58 = arith.constant 0 : i32
      %dma_start3A_59 = tpu.memref_slice %arg2[%dma_start3A_57, %dma_start3A_58] : memref<10000x256xf32, #tpu.memory_space<hbm>> -> memref<10000x256xf32, #tpu.memory_space<hbm>>
      tpu.enqueue_indirect_dma source(%dma_start3A_59 : memref<10000x256xf32, #tpu.memory_space<hbm>>) target(%arg12 : memref<128x256xf32, #tpu.memory_space<vmem>>) offsets(%dma_start3A : memref<128xi32, #tpu.memory_space<vmem>>) semaphore(%arg14 : memref<!tpu.dma_semaphore, #tpu.memory_space<semaphore_mem>>)
    } else {
    }
    %lt3A_13 = arith.constant 1 : i32
    %lt3A_14 = arith.cmpi slt, %lt3A_13, %min3A : i32
    %convert_element_type3A_15 = arith.extui %lt3A_14 : i1 to i32
    %cond3A_16 = arith.constant 0 : i32
    %cond3A_17 = arith.cmpi ne, %convert_element_type3A_15, %cond3A_16 : i32
    scf.if %cond3A_17 {
      %mul3A_54 = arith.constant 1 : i32
      %mul3A_55 = arith.constant 128 : i32
      %mul3A_56 = arith.muli %mul3A_54, %mul3A_55 : i32
      %dma_start3A = tpu.memref_slice %arg8[%mul3A_56] : memref<5120xi32, #tpu.memory_space<vmem>> -> memref<128xi32, #tpu.memory_space<vmem>>
      %dma_start3A_57 = arith.constant 0 : i32
      %dma_start3A_58 = arith.constant 0 : i32
      %dma_start3A_59 = tpu.memref_slice %arg2[%dma_start3A_57, %dma_start3A_58] : memref<10000x256xf32, #tpu.memory_space<hbm>> -> memref<10000x256xf32, #tpu.memory_space<hbm>>
      tpu.enqueue_indirect_dma source(%dma_start3A_59 : memref<10000x256xf32, #tpu.memory_space<hbm>>) target(%arg13 : memref<128x256xf32, #tpu.memory_space<vmem>>) offsets(%dma_start3A : memref<128xi32, #tpu.memory_space<vmem>>) semaphore(%arg15 : memref<!tpu.dma_semaphore, #tpu.memory_space<semaphore_mem>>)
    } else {
    }
    %mul3A_18 = arith.constant 5120 : i32
    %mul3A_19 = arith.muli %add3A, %mul3A_18 : i32
    "tpu.region"() ({
      %run_scoped3A = tpu.sem_alloc : memref<!tpu.dma_semaphore, #tpu.memory_space<semaphore_mem>>
      %dma_start3A = tpu.memref_slice %arg4[%mul3A_19] : memref<163840xi32, #tpu.memory_space<hbm>> -> memref<5120xi32, #tpu.memory_space<hbm>>
      %dma_start3A_54 = tpu.memref_slice %arg4[%mul3A_19] : memref<163840xi32, #tpu.memory_space<hbm>> -> memref<5120xi32, #tpu.memory_space<hbm>>
      tpu.enqueue_dma source(%dma_start3A_54 : memref<5120xi32, #tpu.memory_space<hbm>>) target(%arg9 : memref<5120xi32, #tpu.memory_space<vmem>>) target_semaphore(%run_scoped3A : memref<!tpu.dma_semaphore, #tpu.memory_space<semaphore_mem>>)
      %dma_wait3A = tpu.memref_slice %arg4[%mul3A_19] : memref<163840xi32, #tpu.memory_space<hbm>> -> memref<5120xi32, #tpu.memory_space<hbm>>
      %dma_wait3A_55 = tpu.memref_slice %arg4[%mul3A_19] : memref<163840xi32, #tpu.memory_space<hbm>> -> memref<5120xi32, #tpu.memory_space<hbm>>
      tpu.wait_dma2 semaphore(%run_scoped3A : memref<!tpu.dma_semaphore, #tpu.memory_space<semaphore_mem>>) src(%dma_wait3A_55 : memref<5120xi32, #tpu.memory_space<hbm>>) dst(%arg9 : memref<5120xi32, #tpu.memory_space<vmem>>)
      tpu.yield
    }) : () -> ()
    %while3A = arith.constant 0 : i64
    %while3A_20 = arith.constant 0 : i32
    %while3A_21 = arith.constant 640 : i32
    %while3A_22 = arith.subi %while3A_21, %while3A_20 : i32
    %while3A_23 = arith.addi %while3A_20, %while3A_22 : i32
    %while3A_24 = arith.constant 1 : i32
    %while3A_25 = arith.divsi %while3A_22, %while3A_24 : i32
    %while3A_26 = arith.muli %while3A_25, %while3A_24 : i32
    %while3A_27 = arith.addi %while3A_20, %while3A_26 : i32
    %while3A_28 = arith.constant 1 : i32
    scf.for %while3A_54 = %while3A_20 to %while3A_27 step %while3A_28  : i32 {
      %broadcast_in_dim3A = arith.constant 0 : i32
      %broadcast_in_dim3A_55 = vector.broadcast %broadcast_in_dim3A : i32 to vector<16xi32>
      %mul3A_56 = arith.constant 16 : i32
      %mul3A_57 = arith.muli %while3A_54, %mul3A_56 : i32
      %swap3A = arith.index_cast %mul3A_57 : i32 to index
      %swap3A_58 = tpu.vector_load %arg10[%swap3A] {strides = array<i32>} : memref<10240xi32, #tpu.memory_space<vmem>>, vector<16xi32>,
      tpu.vector_store %arg10[%swap3A], %broadcast_in_dim3A_55 {strides = array<i32>} : memref<10240xi32, #tpu.memory_space<vmem>>, vector<16xi32>,
    }
    %while3A_29 = arith.constant 1 : i32
    scf.for %while3A_54 = %while3A_27 to %while3A_23 step %while3A_29  : i32 {
      %broadcast_in_dim3A = arith.constant 0 : i32
      %broadcast_in_dim3A_55 = vector.broadcast %broadcast_in_dim3A : i32 to vector<16xi32>
      %mul3A_56 = arith.constant 16 : i32
      %mul3A_57 = arith.muli %while3A_54, %mul3A_56 : i32
      %swap3A = arith.index_cast %mul3A_57 : i32 to index
      %swap3A_58 = tpu.vector_load %arg10[%swap3A] {strides = array<i32>} : memref<10240xi32, #tpu.memory_space<vmem>>, vector<16xi32>,
      tpu.vector_store %arg10[%swap3A], %broadcast_in_dim3A_55 {strides = array<i32>} : memref<10240xi32, #tpu.memory_space<vmem>>, vector<16xi32>,
    }
    %while3A_30 = arith.constant 0 : i64
    %while3A_31 = arith.constant 0 : i32
    %while3A_32 = arith.constant 20 : i32
    %while3A_33 = arith.subi %while3A_32, %while3A_31 : i32
    %while3A_34 = arith.addi %while3A_31, %while3A_33 : i32
    %while3A_35 = arith.constant 1 : i32
    %while3A_36 = arith.divsi %while3A_33, %while3A_35 : i32
    %while3A_37 = arith.muli %while3A_36, %while3A_35 : i32
    %while3A_38 = arith.addi %while3A_31, %while3A_37 : i32
    %while3A_39 = arith.constant 1 : i32
    scf.for %while3A_54 = %while3A_31 to %while3A_38 step %while3A_39  : i32 {
      %mul3A_55 = arith.constant 16 : i32
      %mul3A_56 = arith.muli %while3A_54, %mul3A_55 : i32
      %add3A_57 = arith.constant 1 : i32
      %add3A_58 = arith.addi %while3A_54, %add3A_57 : i32
      %mul3A_59 = arith.constant 16 : i32
      %mul3A_60 = arith.muli %add3A_58, %mul3A_59 : i32
      %while3A_61 = arith.constant 0 : i64
      %while3A_62 = arith.subi %mul3A_60, %mul3A_56 : i32
      %while3A_63 = arith.addi %mul3A_56, %while3A_62 : i32
      %while3A_64 = arith.constant 1 : i32
      %while3A_65 = arith.divsi %while3A_62, %while3A_64 : i32
      %while3A_66 = arith.muli %while3A_65, %while3A_64 : i32
      %while3A_67 = arith.addi %mul3A_56, %while3A_66 : i32
      %while3A_68 = arith.constant 1 : i32
      scf.for %while3A_86 = %mul3A_56 to %while3A_67 step %while3A_68  : i32 {
        %mul3A_87 = arith.constant 16 : i32
        %mul3A_88 = arith.muli %while3A_86, %mul3A_87 : i32
        %get3A = arith.index_cast %mul3A_88 : i32 to index
        %get3A_89 = tpu.vector_load %arg9[%get3A] {strides = array<i32>} : memref<5120xi32, #tpu.memory_space<vmem>>, vector<16xi32>,
        %broadcast_in_dim3A = arith.constant true
        %broadcast_in_dim3A_90 = vector.broadcast %broadcast_in_dim3A : i1 to vector<16xi1>
        %unique3A, %unique3A_91 = tpu.scan_count mask(%broadcast_in_dim3A_90 : vector<16xi1>) value(%get3A_89 : vector<16xi32>) : vector<16xi1>, vector<16xi32>
        %gather3A = tpu.vector_load_idx %arg10[%get3A_89] : memref<10240xi32, #tpu.memory_space<vmem>>[vector<16xi32>], vector<16xi32>,
        %add3A_92 = arith.addi %gather3A, %unique3A_91 : vector<16xi32>
        %sub3A_93 = arith.constant 1 : i32
        %sub3A_94 = vector.broadcast %sub3A_93 : i32 to vector<16xi32>
        %sub3A_95 = arith.subi %add3A_92, %sub3A_94 : vector<16xi32>
        %mul3A_96 = arith.constant 16 : i32
        %mul3A_97 = arith.muli %while3A_86, %mul3A_96 : i32
        %swap3A = arith.index_cast %mul3A_97 : i32 to index
        %swap3A_98 = tpu.vector_load %arg11[%swap3A] {strides = array<i32>} : memref<5120xi32, #tpu.memory_space<vmem>>, vector<16xi32>,
        tpu.vector_store %arg11[%swap3A], %sub3A_95 {strides = array<i32>} : memref<5120xi32, #tpu.memory_space<vmem>>, vector<16xi32>,
        %add3A_99 = arith.addi %gather3A, %unique3A_91 : vector<16xi32>
        tpu.vector_store_idx %arg10[%get3A_89], %add3A_99 masked %unique3A : memref<10240xi32, #tpu.memory_space<vmem>>[vector<16xi32>], vector<16xi32>, vector<16xi1>
      }
      %while3A_69 = arith.constant 1 : i32
      scf.for %while3A_86 = %while3A_67 to %while3A_63 step %while3A_69  : i32 {
        %mul3A_87 = arith.constant 16 : i32
        %mul3A_88 = arith.muli %while3A_86, %mul3A_87 : i32
        %get3A = arith.index_cast %mul3A_88 : i32 to index
        %get3A_89 = tpu.vector_load %arg9[%get3A] {strides = array<i32>} : memref<5120xi32, #tpu.memory_space<vmem>>, vector<16xi32>,
        %broadcast_in_dim3A = arith.constant true
        %broadcast_in_dim3A_90 = vector.broadcast %broadcast_in_dim3A : i1 to vector<16xi1>
        %unique3A, %unique3A_91 = tpu.scan_count mask(%broadcast_in_dim3A_90 : vector<16xi1>) value(%get3A_89 : vector<16xi32>) : vector<16xi1>, vector<16xi32>
        %gather3A = tpu.vector_load_idx %arg10[%get3A_89] : memref<10240xi32, #tpu.memory_space<vmem>>[vector<16xi32>], vector<16xi32>,
        %add3A_92 = arith.addi %gather3A, %unique3A_91 : vector<16xi32>
        %sub3A_93 = arith.constant 1 : i32
        %sub3A_94 = vector.broadcast %sub3A_93 : i32 to vector<16xi32>
        %sub3A_95 = arith.subi %add3A_92, %sub3A_94 : vector<16xi32>
        %mul3A_96 = arith.constant 16 : i32
        %mul3A_97 = arith.muli %while3A_86, %mul3A_96 : i32
        %swap3A = arith.index_cast %mul3A_97 : i32 to index
        %swap3A_98 = tpu.vector_load %arg11[%swap3A] {strides = array<i32>} : memref<5120xi32, #tpu.memory_space<vmem>>, vector<16xi32>,
        tpu.vector_store %arg11[%swap3A], %sub3A_95 {strides = array<i32>} : memref<5120xi32, #tpu.memory_space<vmem>>, vector<16xi32>,
        %add3A_99 = arith.addi %gather3A, %unique3A_91 : vector<16xi32>
        tpu.vector_store_idx %arg10[%get3A_89], %add3A_99 masked %unique3A : memref<10240xi32, #tpu.memory_space<vmem>>[vector<16xi32>], vector<16xi32>, vector<16xi1>
      }
      %mul3A_70 = arith.constant 2 : i32
      %mul3A_71 = arith.muli %while3A_54, %mul3A_70 : i32
      %add3A_72 = arith.constant 0 : i32
      %add3A_73 = arith.addi %mul3A_71, %add3A_72 : i32
      %lt3A_74 = arith.cmpi slt, %add3A_73, %min3A : i32
      %convert_element_type3A_75 = arith.extui %lt3A_74 : i1 to i32
      %cond3A_76 = arith.constant 0 : i32
      %cond3A_77 = arith.cmpi ne, %convert_element_type3A_75, %cond3A_76 : i32
      scf.if %cond3A_77 {
        %dma_wait3A = arith.constant 0 : i32
        %dma_wait3A_86 = tpu.memref_slice %arg8[%dma_wait3A] : memref<5120xi32, #tpu.memory_space<vmem>> -> memref<128xi32, #tpu.memory_space<vmem>>
        %dma_wait3A_87 = arith.constant 0 : i32
        %dma_wait3A_88 = arith.constant 0 : i32
        %dma_wait3A_89 = tpu.memref_slice %arg2[%dma_wait3A_87, %dma_wait3A_88] : memref<10000x256xf32, #tpu.memory_space<hbm>> -> memref<10000x256xf32, #tpu.memory_space<hbm>>
        tpu.wait_indirect_dma semaphore(%arg14 : memref<!tpu.dma_semaphore, #tpu.memory_space<semaphore_mem>>) src(%dma_wait3A_89 : memref<10000x256xf32, #tpu.memory_space<hbm>>) dst(%arg12 : memref<128x256xf32, #tpu.memory_space<vmem>>)
        %mul3A_90 = arith.constant 128 : i32
        %mul3A_91 = arith.muli %add3A_73, %mul3A_90 : i32
        %add3A_92 = arith.addi %mul3A_9, %mul3A_91 : i32
        %dma_start3A = arith.constant 0 : i32
        %dma_start3A_93 = tpu.memref_slice %arg7[%add3A_92, %dma_start3A] : memref<160000x256xf32, #tpu.memory_space<hbm>> -> memref<128x256xf32, #tpu.memory_space<hbm>>
        %dma_start3A_94 = arith.constant 0 : i32
        %dma_start3A_95 = tpu.memref_slice %arg7[%add3A_92, %dma_start3A_94] : memref<160000x256xf32, #tpu.memory_space<hbm>> -> memref<128x256xf32, #tpu.memory_space<hbm>>
        tpu.enqueue_dma source(%arg12 : memref<128x256xf32, #tpu.memory_space<vmem>>) target(%dma_start3A_95 : memref<128x256xf32, #tpu.memory_space<hbm>>) target_semaphore(%arg16 : memref<!tpu.dma_semaphore, #tpu.memory_space<semaphore_mem>>)
        %mul3A_96 = arith.constant 128 : i32
        %mul3A_97 = arith.muli %add3A_73, %mul3A_96 : i32
        %add3A_98 = arith.addi %mul3A_9, %mul3A_97 : i32
        %dma_wait3A_99 = arith.constant 0 : i32
        %dma_wait3A_100 = tpu.memref_slice %arg7[%add3A_98, %dma_wait3A_99] : memref<160000x256xf32, #tpu.memory_space<hbm>> -> memref<128x256xf32, #tpu.memory_space<hbm>>
        %dma_wait3A_101 = arith.constant 0 : i32
        %dma_wait3A_102 = tpu.memref_slice %arg7[%add3A_98, %dma_wait3A_101] : memref<160000x256xf32, #tpu.memory_space<hbm>> -> memref<128x256xf32, #tpu.memory_space<hbm>>
        tpu.wait_dma2 semaphore(%arg16 : memref<!tpu.dma_semaphore, #tpu.memory_space<semaphore_mem>>) src(%arg12 : memref<128x256xf32, #tpu.memory_space<vmem>>) dst(%dma_wait3A_102 : memref<128x256xf32, #tpu.memory_space<hbm>>)
        %add3A_103 = arith.constant 2 : i32
        %add3A_104 = arith.addi %add3A_73, %add3A_103 : i32
        %lt3A_105 = arith.cmpi slt, %add3A_104, %min3A : i32
        %convert_element_type3A_106 = arith.extui %lt3A_105 : i1 to i32
        %cond3A_107 = arith.constant 0 : i32
        %cond3A_108 = arith.cmpi ne, %convert_element_type3A_106, %cond3A_107 : i32
        scf.if %cond3A_108 {
          %add3A_109 = arith.constant 2 : i32
          %add3A_110 = arith.addi %add3A_73, %add3A_109 : i32
          %mul3A_111 = arith.constant 128 : i32
          %mul3A_112 = arith.muli %add3A_110, %mul3A_111 : i32
          %dma_start3A_113 = tpu.memref_slice %arg8[%mul3A_112] : memref<5120xi32, #tpu.memory_space<vmem>> -> memref<128xi32, #tpu.memory_space<vmem>>
          %dma_start3A_114 = arith.constant 0 : i32
          %dma_start3A_115 = arith.constant 0 : i32
          %dma_start3A_116 = tpu.memref_slice %arg2[%dma_start3A_114, %dma_start3A_115] : memref<10000x256xf32, #tpu.memory_space<hbm>> -> memref<10000x256xf32, #tpu.memory_space<hbm>>
          tpu.enqueue_indirect_dma source(%dma_start3A_116 : memref<10000x256xf32, #tpu.memory_space<hbm>>) target(%arg12 : memref<128x256xf32, #tpu.memory_space<vmem>>) offsets(%dma_start3A_113 : memref<128xi32, #tpu.memory_space<vmem>>) semaphore(%arg14 : memref<!tpu.dma_semaphore, #tpu.memory_space<semaphore_mem>>)
        } else {
        }
      } else {
      }
      %mul3A_78 = arith.constant 2 : i32
      %mul3A_79 = arith.muli %while3A_54, %mul3A_78 : i32
      %add3A_80 = arith.constant 1 : i32
      %add3A_81 = arith.addi %mul3A_79, %add3A_80 : i32
      %lt3A_82 = arith.cmpi slt, %add3A_81, %min3A : i32
      %convert_element_type3A_83 = arith.extui %lt3A_82 : i1 to i32
      %cond3A_84 = arith.constant 0 : i32
      %cond3A_85 = arith.cmpi ne, %convert_element_type3A_83, %cond3A_84 : i32
      scf.if %cond3A_85 {
        %dma_wait3A = arith.constant 0 : i32
        %dma_wait3A_86 = tpu.memref_slice %arg8[%dma_wait3A] : memref<5120xi32, #tpu.memory_space<vmem>> -> memref<128xi32, #tpu.memory_space<vmem>>
        %dma_wait3A_87 = arith.constant 0 : i32
        %dma_wait3A_88 = arith.constant 0 : i32
        %dma_wait3A_89 = tpu.memref_slice %arg2[%dma_wait3A_87, %dma_wait3A_88] : memref<10000x256xf32, #tpu.memory_space<hbm>> -> memref<10000x256xf32, #tpu.memory_space<hbm>>
        tpu.wait_indirect_dma semaphore(%arg15 : memref<!tpu.dma_semaphore, #tpu.memory_space<semaphore_mem>>) src(%dma_wait3A_89 : memref<10000x256xf32, #tpu.memory_space<hbm>>) dst(%arg13 : memref<128x256xf32, #tpu.memory_space<vmem>>)
        %mul3A_90 = arith.constant 128 : i32
        %mul3A_91 = arith.muli %add3A_81, %mul3A_90 : i32
        %add3A_92 = arith.addi %mul3A_9, %mul3A_91 : i32
        %dma_start3A = arith.constant 0 : i32
        %dma_start3A_93 = tpu.memref_slice %arg7[%add3A_92, %dma_start3A] : memref<160000x256xf32, #tpu.memory_space<hbm>> -> memref<128x256xf32, #tpu.memory_space<hbm>>
        %dma_start3A_94 = arith.constant 0 : i32
        %dma_start3A_95 = tpu.memref_slice %arg7[%add3A_92, %dma_start3A_94] : memref<160000x256xf32, #tpu.memory_space<hbm>> -> memref<128x256xf32, #tpu.memory_space<hbm>>
        tpu.enqueue_dma source(%arg13 : memref<128x256xf32, #tpu.memory_space<vmem>>) target(%dma_start3A_95 : memref<128x256xf32, #tpu.memory_space<hbm>>) target_semaphore(%arg17 : memref<!tpu.dma_semaphore, #tpu.memory_space<semaphore_mem>>)
        %mul3A_96 = arith.constant 128 : i32
        %mul3A_97 = arith.muli %add3A_81, %mul3A_96 : i32
        %add3A_98 = arith.addi %mul3A_9, %mul3A_97 : i32
        %dma_wait3A_99 = arith.constant 0 : i32
        %dma_wait3A_100 = tpu.memref_slice %arg7[%add3A_98, %dma_wait3A_99] : memref<160000x256xf32, #tpu.memory_space<hbm>> -> memref<128x256xf32, #tpu.memory_space<hbm>>
        %dma_wait3A_101 = arith.constant 0 : i32
        %dma_wait3A_102 = tpu.memref_slice %arg7[%add3A_98, %dma_wait3A_101] : memref<160000x256xf32, #tpu.memory_space<hbm>> -> memref<128x256xf32, #tpu.memory_space<hbm>>
        tpu.wait_dma2 semaphore(%arg17 : memref<!tpu.dma_semaphore, #tpu.memory_space<semaphore_mem>>) src(%arg13 : memref<128x256xf32, #tpu.memory_space<vmem>>) dst(%dma_wait3A_102 : memref<128x256xf32, #tpu.memory_space<hbm>>)
        %add3A_103 = arith.constant 2 : i32
        %add3A_104 = arith.addi %add3A_81, %add3A_103 : i32
        %lt3A_105 = arith.cmpi slt, %add3A_104, %min3A : i32
        %convert_element_type3A_106 = arith.extui %lt3A_105 : i1 to i32
        %cond3A_107 = arith.constant 0 : i32
        %cond3A_108 = arith.cmpi ne, %convert_element_type3A_106, %cond3A_107 : i32
        scf.if %cond3A_108 {
          %add3A_109 = arith.constant 2 : i32
          %add3A_110 = arith.addi %add3A_81, %add3A_109 : i32
          %mul3A_111 = arith.constant 128 : i32
          %mul3A_112 = arith.muli %add3A_110, %mul3A_111 : i32
          %dma_start3A_113 = tpu.memref_slice %arg8[%mul3A_112] : memref<5120xi32, #tpu.memory_space<vmem>> -> memref<128xi32, #tpu.memory_space<vmem>>
          %dma_start3A_114 = arith.constant 0 : i32
          %dma_start3A_115 = arith.constant 0 : i32
          %dma_start3A_116 = tpu.memref_slice %arg2[%dma_start3A_114, %dma_start3A_115] : memref<10000x256xf32, #tpu.memory_space<hbm>> -> memref<10000x256xf32, #tpu.memory_space<hbm>>
          tpu.enqueue_indirect_dma source(%dma_start3A_116 : memref<10000x256xf32, #tpu.memory_space<hbm>>) target(%arg13 : memref<128x256xf32, #tpu.memory_space<vmem>>) offsets(%dma_start3A_113 : memref<128xi32, #tpu.memory_space<vmem>>) semaphore(%arg15 : memref<!tpu.dma_semaphore, #tpu.memory_space<semaphore_mem>>)
        } else {
        }
      } else {
      }
    }
    %while3A_40 = arith.constant 1 : i32
    scf.for %while3A_54 = %while3A_38 to %while3A_34 step %while3A_40  : i32 {
      %mul3A_55 = arith.constant 16 : i32
      %mul3A_56 = arith.muli %while3A_54, %mul3A_55 : i32
      %add3A_57 = arith.constant 1 : i32
      %add3A_58 = arith.addi %while3A_54, %add3A_57 : i32
      %mul3A_59 = arith.constant 16 : i32
      %mul3A_60 = arith.muli %add3A_58, %mul3A_59 : i32
      %while3A_61 = arith.constant 0 : i64
      %while3A_62 = arith.subi %mul3A_60, %mul3A_56 : i32
      %while3A_63 = arith.addi %mul3A_56, %while3A_62 : i32
      %while3A_64 = arith.constant 1 : i32
      %while3A_65 = arith.divsi %while3A_62, %while3A_64 : i32
      %while3A_66 = arith.muli %while3A_65, %while3A_64 : i32
      %while3A_67 = arith.addi %mul3A_56, %while3A_66 : i32
      %while3A_68 = arith.constant 1 : i32
      scf.for %while3A_86 = %mul3A_56 to %while3A_67 step %while3A_68  : i32 {
        %mul3A_87 = arith.constant 16 : i32
        %mul3A_88 = arith.muli %while3A_86, %mul3A_87 : i32
        %get3A = arith.index_cast %mul3A_88 : i32 to index
        %get3A_89 = tpu.vector_load %arg9[%get3A] {strides = array<i32>} : memref<5120xi32, #tpu.memory_space<vmem>>, vector<16xi32>,
        %broadcast_in_dim3A = arith.constant true
        %broadcast_in_dim3A_90 = vector.broadcast %broadcast_in_dim3A : i1 to vector<16xi1>
        %unique3A, %unique3A_91 = tpu.scan_count mask(%broadcast_in_dim3A_90 : vector<16xi1>) value(%get3A_89 : vector<16xi32>) : vector<16xi1>, vector<16xi32>
        %gather3A = tpu.vector_load_idx %arg10[%get3A_89] : memref<10240xi32, #tpu.memory_space<vmem>>[vector<16xi32>], vector<16xi32>,
        %add3A_92 = arith.addi %gather3A, %unique3A_91 : vector<16xi32>
        %sub3A_93 = arith.constant 1 : i32
        %sub3A_94 = vector.broadcast %sub3A_93 : i32 to vector<16xi32>
        %sub3A_95 = arith.subi %add3A_92, %sub3A_94 : vector<16xi32>
        %mul3A_96 = arith.constant 16 : i32
        %mul3A_97 = arith.muli %while3A_86, %mul3A_96 : i32
        %swap3A = arith.index_cast %mul3A_97 : i32 to index
        %swap3A_98 = tpu.vector_load %arg11[%swap3A] {strides = array<i32>} : memref<5120xi32, #tpu.memory_space<vmem>>, vector<16xi32>,
        tpu.vector_store %arg11[%swap3A], %sub3A_95 {strides = array<i32>} : memref<5120xi32, #tpu.memory_space<vmem>>, vector<16xi32>,
        %add3A_99 = arith.addi %gather3A, %unique3A_91 : vector<16xi32>
        tpu.vector_store_idx %arg10[%get3A_89], %add3A_99 masked %unique3A : memref<10240xi32, #tpu.memory_space<vmem>>[vector<16xi32>], vector<16xi32>, vector<16xi1>
      }
      %while3A_69 = arith.constant 1 : i32
      scf.for %while3A_86 = %while3A_67 to %while3A_63 step %while3A_69  : i32 {
        %mul3A_87 = arith.constant 16 : i32
        %mul3A_88 = arith.muli %while3A_86, %mul3A_87 : i32
        %get3A = arith.index_cast %mul3A_88 : i32 to index
        %get3A_89 = tpu.vector_load %arg9[%get3A] {strides = array<i32>} : memref<5120xi32, #tpu.memory_space<vmem>>, vector<16xi32>,
        %broadcast_in_dim3A = arith.constant true
        %broadcast_in_dim3A_90 = vector.broadcast %broadcast_in_dim3A : i1 to vector<16xi1>
        %unique3A, %unique3A_91 = tpu.scan_count mask(%broadcast_in_dim3A_90 : vector<16xi1>) value(%get3A_89 : vector<16xi32>) : vector<16xi1>, vector<16xi32>
        %gather3A = tpu.vector_load_idx %arg10[%get3A_89] : memref<10240xi32, #tpu.memory_space<vmem>>[vector<16xi32>], vector<16xi32>,
        %add3A_92 = arith.addi %gather3A, %unique3A_91 : vector<16xi32>
        %sub3A_93 = arith.constant 1 : i32
        %sub3A_94 = vector.broadcast %sub3A_93 : i32 to vector<16xi32>
        %sub3A_95 = arith.subi %add3A_92, %sub3A_94 : vector<16xi32>
        %mul3A_96 = arith.constant 16 : i32
        %mul3A_97 = arith.muli %while3A_86, %mul3A_96 : i32
        %swap3A = arith.index_cast %mul3A_97 : i32 to index
        %swap3A_98 = tpu.vector_load %arg11[%swap3A] {strides = array<i32>} : memref<5120xi32, #tpu.memory_space<vmem>>, vector<16xi32>,
        tpu.vector_store %arg11[%swap3A], %sub3A_95 {strides = array<i32>} : memref<5120xi32, #tpu.memory_space<vmem>>, vector<16xi32>,
        %add3A_99 = arith.addi %gather3A, %unique3A_91 : vector<16xi32>
        tpu.vector_store_idx %arg10[%get3A_89], %add3A_99 masked %unique3A : memref<10240xi32, #tpu.memory_space<vmem>>[vector<16xi32>], vector<16xi32>, vector<16xi1>
      }
      %mul3A_70 = arith.constant 2 : i32
      %mul3A_71 = arith.muli %while3A_54, %mul3A_70 : i32
      %add3A_72 = arith.constant 0 : i32
      %add3A_73 = arith.addi %mul3A_71, %add3A_72 : i32
      %lt3A_74 = arith.cmpi slt, %add3A_73, %min3A : i32
      %convert_element_type3A_75 = arith.extui %lt3A_74 : i1 to i32
      %cond3A_76 = arith.constant 0 : i32
      %cond3A_77 = arith.cmpi ne, %convert_element_type3A_75, %cond3A_76 : i32
      scf.if %cond3A_77 {
        %dma_wait3A = arith.constant 0 : i32
        %dma_wait3A_86 = tpu.memref_slice %arg8[%dma_wait3A] : memref<5120xi32, #tpu.memory_space<vmem>> -> memref<128xi32, #tpu.memory_space<vmem>>
        %dma_wait3A_87 = arith.constant 0 : i32
        %dma_wait3A_88 = arith.constant 0 : i32
        %dma_wait3A_89 = tpu.memref_slice %arg2[%dma_wait3A_87, %dma_wait3A_88] : memref<10000x256xf32, #tpu.memory_space<hbm>> -> memref<10000x256xf32, #tpu.memory_space<hbm>>
        tpu.wait_indirect_dma semaphore(%arg14 : memref<!tpu.dma_semaphore, #tpu.memory_space<semaphore_mem>>) src(%dma_wait3A_89 : memref<10000x256xf32, #tpu.memory_space<hbm>>) dst(%arg12 : memref<128x256xf32, #tpu.memory_space<vmem>>)
        %mul3A_90 = arith.constant 128 : i32
        %mul3A_91 = arith.muli %add3A_73, %mul3A_90 : i32
        %add3A_92 = arith.addi %mul3A_9, %mul3A_91 : i32
        %dma_start3A = arith.constant 0 : i32
        %dma_start3A_93 = tpu.memref_slice %arg7[%add3A_92, %dma_start3A] : memref<160000x256xf32, #tpu.memory_space<hbm>> -> memref<128x256xf32, #tpu.memory_space<hbm>>
        %dma_start3A_94 = arith.constant 0 : i32
        %dma_start3A_95 = tpu.memref_slice %arg7[%add3A_92, %dma_start3A_94] : memref<160000x256xf32, #tpu.memory_space<hbm>> -> memref<128x256xf32, #tpu.memory_space<hbm>>
        tpu.enqueue_dma source(%arg12 : memref<128x256xf32, #tpu.memory_space<vmem>>) target(%dma_start3A_95 : memref<128x256xf32, #tpu.memory_space<hbm>>) target_semaphore(%arg16 : memref<!tpu.dma_semaphore, #tpu.memory_space<semaphore_mem>>)
        %mul3A_96 = arith.constant 128 : i32
        %mul3A_97 = arith.muli %add3A_73, %mul3A_96 : i32
        %add3A_98 = arith.addi %mul3A_9, %mul3A_97 : i32
        %dma_wait3A_99 = arith.constant 0 : i32
        %dma_wait3A_100 = tpu.memref_slice %arg7[%add3A_98, %dma_wait3A_99] : memref<160000x256xf32, #tpu.memory_space<hbm>> -> memref<128x256xf32, #tpu.memory_space<hbm>>
        %dma_wait3A_101 = arith.constant 0 : i32
        %dma_wait3A_102 = tpu.memref_slice %arg7[%add3A_98, %dma_wait3A_101] : memref<160000x256xf32, #tpu.memory_space<hbm>> -> memref<128x256xf32, #tpu.memory_space<hbm>>
        tpu.wait_dma2 semaphore(%arg16 : memref<!tpu.dma_semaphore, #tpu.memory_space<semaphore_mem>>) src(%arg12 : memref<128x256xf32, #tpu.memory_space<vmem>>) dst(%dma_wait3A_102 : memref<128x256xf32, #tpu.memory_space<hbm>>)
        %add3A_103 = arith.constant 2 : i32
        %add3A_104 = arith.addi %add3A_73, %add3A_103 : i32
        %lt3A_105 = arith.cmpi slt, %add3A_104, %min3A : i32
        %convert_element_type3A_106 = arith.extui %lt3A_105 : i1 to i32
        %cond3A_107 = arith.constant 0 : i32
        %cond3A_108 = arith.cmpi ne, %convert_element_type3A_106, %cond3A_107 : i32
        scf.if %cond3A_108 {
          %add3A_109 = arith.constant 2 : i32
          %add3A_110 = arith.addi %add3A_73, %add3A_109 : i32
          %mul3A_111 = arith.constant 128 : i32
          %mul3A_112 = arith.muli %add3A_110, %mul3A_111 : i32
          %dma_start3A_113 = tpu.memref_slice %arg8[%mul3A_112] : memref<5120xi32, #tpu.memory_space<vmem>> -> memref<128xi32, #tpu.memory_space<vmem>>
          %dma_start3A_114 = arith.constant 0 : i32
          %dma_start3A_115 = arith.constant 0 : i32
          %dma_start3A_116 = tpu.memref_slice %arg2[%dma_start3A_114, %dma_start3A_115] : memref<10000x256xf32, #tpu.memory_space<hbm>> -> memref<10000x256xf32, #tpu.memory_space<hbm>>
          tpu.enqueue_indirect_dma source(%dma_start3A_116 : memref<10000x256xf32, #tpu.memory_space<hbm>>) target(%arg12 : memref<128x256xf32, #tpu.memory_space<vmem>>) offsets(%dma_start3A_113 : memref<128xi32, #tpu.memory_space<vmem>>) semaphore(%arg14 : memref<!tpu.dma_semaphore, #tpu.memory_space<semaphore_mem>>)
        } else {
        }
      } else {
      }
      %mul3A_78 = arith.constant 2 : i32
      %mul3A_79 = arith.muli %while3A_54, %mul3A_78 : i32
      %add3A_80 = arith.constant 1 : i32
      %add3A_81 = arith.addi %mul3A_79, %add3A_80 : i32
      %lt3A_82 = arith.cmpi slt, %add3A_81, %min3A : i32
      %convert_element_type3A_83 = arith.extui %lt3A_82 : i1 to i32
      %cond3A_84 = arith.constant 0 : i32
      %cond3A_85 = arith.cmpi ne, %convert_element_type3A_83, %cond3A_84 : i32
      scf.if %cond3A_85 {
        %dma_wait3A = arith.constant 0 : i32
        %dma_wait3A_86 = tpu.memref_slice %arg8[%dma_wait3A] : memref<5120xi32, #tpu.memory_space<vmem>> -> memref<128xi32, #tpu.memory_space<vmem>>
        %dma_wait3A_87 = arith.constant 0 : i32
        %dma_wait3A_88 = arith.constant 0 : i32
        %dma_wait3A_89 = tpu.memref_slice %arg2[%dma_wait3A_87, %dma_wait3A_88] : memref<10000x256xf32, #tpu.memory_space<hbm>> -> memref<10000x256xf32, #tpu.memory_space<hbm>>
        tpu.wait_indirect_dma semaphore(%arg15 : memref<!tpu.dma_semaphore, #tpu.memory_space<semaphore_mem>>) src(%dma_wait3A_89 : memref<10000x256xf32, #tpu.memory_space<hbm>>) dst(%arg13 : memref<128x256xf32, #tpu.memory_space<vmem>>)
        %mul3A_90 = arith.constant 128 : i32
        %mul3A_91 = arith.muli %add3A_81, %mul3A_90 : i32
        %add3A_92 = arith.addi %mul3A_9, %mul3A_91 : i32
        %dma_start3A = arith.constant 0 : i32
        %dma_start3A_93 = tpu.memref_slice %arg7[%add3A_92, %dma_start3A] : memref<160000x256xf32, #tpu.memory_space<hbm>> -> memref<128x256xf32, #tpu.memory_space<hbm>>
        %dma_start3A_94 = arith.constant 0 : i32
        %dma_start3A_95 = tpu.memref_slice %arg7[%add3A_92, %dma_start3A_94] : memref<160000x256xf32, #tpu.memory_space<hbm>> -> memref<128x256xf32, #tpu.memory_space<hbm>>
        tpu.enqueue_dma source(%arg13 : memref<128x256xf32, #tpu.memory_space<vmem>>) target(%dma_start3A_95 : memref<128x256xf32, #tpu.memory_space<hbm>>) target_semaphore(%arg17 : memref<!tpu.dma_semaphore, #tpu.memory_space<semaphore_mem>>)
        %mul3A_96 = arith.constant 128 : i32
        %mul3A_97 = arith.muli %add3A_81, %mul3A_96 : i32
        %add3A_98 = arith.addi %mul3A_9, %mul3A_97 : i32
        %dma_wait3A_99 = arith.constant 0 : i32
        %dma_wait3A_100 = tpu.memref_slice %arg7[%add3A_98, %dma_wait3A_99] : memref<160000x256xf32, #tpu.memory_space<hbm>> -> memref<128x256xf32, #tpu.memory_space<hbm>>
        %dma_wait3A_101 = arith.constant 0 : i32
        %dma_wait3A_102 = tpu.memref_slice %arg7[%add3A_98, %dma_wait3A_101] : memref<160000x256xf32, #tpu.memory_space<hbm>> -> memref<128x256xf32, #tpu.memory_space<hbm>>
        tpu.wait_dma2 semaphore(%arg17 : memref<!tpu.dma_semaphore, #tpu.memory_space<semaphore_mem>>) src(%arg13 : memref<128x256xf32, #tpu.memory_space<vmem>>) dst(%dma_wait3A_102 : memref<128x256xf32, #tpu.memory_space<hbm>>)
        %add3A_103 = arith.constant 2 : i32
        %add3A_104 = arith.addi %add3A_81, %add3A_103 : i32
        %lt3A_105 = arith.cmpi slt, %add3A_104, %min3A : i32
        %convert_element_type3A_106 = arith.extui %lt3A_105 : i1 to i32
        %cond3A_107 = arith.constant 0 : i32
        %cond3A_108 = arith.cmpi ne, %convert_element_type3A_106, %cond3A_107 : i32
        scf.if %cond3A_108 {
          %add3A_109 = arith.constant 2 : i32
          %add3A_110 = arith.addi %add3A_81, %add3A_109 : i32
          %mul3A_111 = arith.constant 128 : i32
          %mul3A_112 = arith.muli %add3A_110, %mul3A_111 : i32
          %dma_start3A_113 = tpu.memref_slice %arg8[%mul3A_112] : memref<5120xi32, #tpu.memory_space<vmem>> -> memref<128xi32, #tpu.memory_space<vmem>>
          %dma_start3A_114 = arith.constant 0 : i32
          %dma_start3A_115 = arith.constant 0 : i32
          %dma_start3A_116 = tpu.memref_slice %arg2[%dma_start3A_114, %dma_start3A_115] : memref<10000x256xf32, #tpu.memory_space<hbm>> -> memref<10000x256xf32, #tpu.memory_space<hbm>>
          tpu.enqueue_indirect_dma source(%dma_start3A_116 : memref<10000x256xf32, #tpu.memory_space<hbm>>) target(%arg13 : memref<128x256xf32, #tpu.memory_space<vmem>>) offsets(%dma_start3A_113 : memref<128xi32, #tpu.memory_space<vmem>>) semaphore(%arg15 : memref<!tpu.dma_semaphore, #tpu.memory_space<semaphore_mem>>)
        } else {
        }
      } else {
      }
    }
    %while3A_41 = arith.constant 0 : i64
    %while3A_42 = arith.constant 320 : i32
    %while3A_43 = arith.constant 320 : i32
    %while3A_44 = arith.subi %while3A_43, %while3A_42 : i32
    %while3A_45 = arith.addi %while3A_42, %while3A_44 : i32
    %while3A_46 = arith.constant 1 : i32
    %while3A_47 = arith.divsi %while3A_44, %while3A_46 : i32
    %while3A_48 = arith.muli %while3A_47, %while3A_46 : i32
    %while3A_49 = arith.addi %while3A_42, %while3A_48 : i32
    %while3A_50 = arith.constant 1 : i32
    scf.for %while3A_54 = %while3A_42 to %while3A_49 step %while3A_50  : i32 {
      %mul3A_55 = arith.constant 16 : i32
      %mul3A_56 = arith.muli %while3A_54, %mul3A_55 : i32
      %get3A = arith.index_cast %mul3A_56 : i32 to index
      %get3A_57 = tpu.vector_load %arg9[%get3A] {strides = array<i32>} : memref<5120xi32, #tpu.memory_space<vmem>>, vector<16xi32>,
      %broadcast_in_dim3A = arith.constant true
      %broadcast_in_dim3A_58 = vector.broadcast %broadcast_in_dim3A : i1 to vector<16xi1>
      %unique3A, %unique3A_59 = tpu.scan_count mask(%broadcast_in_dim3A_58 : vector<16xi1>) value(%get3A_57 : vector<16xi32>) : vector<16xi1>, vector<16xi32>
      %gather3A = tpu.vector_load_idx %arg10[%get3A_57] : memref<10240xi32, #tpu.memory_space<vmem>>[vector<16xi32>], vector<16xi32>,
      %add3A_60 = arith.addi %gather3A, %unique3A_59 : vector<16xi32>
      %sub3A_61 = arith.constant 1 : i32
      %sub3A_62 = vector.broadcast %sub3A_61 : i32 to vector<16xi32>
      %sub3A_63 = arith.subi %add3A_60, %sub3A_62 : vector<16xi32>
      %mul3A_64 = arith.constant 16 : i32
      %mul3A_65 = arith.muli %while3A_54, %mul3A_64 : i32
      %swap3A = arith.index_cast %mul3A_65 : i32 to index
      %swap3A_66 = tpu.vector_load %arg11[%swap3A] {strides = array<i32>} : memref<5120xi32, #tpu.memory_space<vmem>>, vector<16xi32>,
      tpu.vector_store %arg11[%swap3A], %sub3A_63 {strides = array<i32>} : memref<5120xi32, #tpu.memory_space<vmem>>, vector<16xi32>,
      %add3A_67 = arith.addi %gather3A, %unique3A_59 : vector<16xi32>
      tpu.vector_store_idx %arg10[%get3A_57], %add3A_67 masked %unique3A : memref<10240xi32, #tpu.memory_space<vmem>>[vector<16xi32>], vector<16xi32>, vector<16xi1>
    }
    %while3A_51 = arith.constant 1 : i32
    scf.for %while3A_54 = %while3A_49 to %while3A_45 step %while3A_51  : i32 {
      %mul3A_55 = arith.constant 16 : i32
      %mul3A_56 = arith.muli %while3A_54, %mul3A_55 : i32
      %get3A = arith.index_cast %mul3A_56 : i32 to index
      %get3A_57 = tpu.vector_load %arg9[%get3A] {strides = array<i32>} : memref<5120xi32, #tpu.memory_space<vmem>>, vector<16xi32>,
      %broadcast_in_dim3A = arith.constant true
      %broadcast_in_dim3A_58 = vector.broadcast %broadcast_in_dim3A : i1 to vector<16xi1>
      %unique3A, %unique3A_59 = tpu.scan_count mask(%broadcast_in_dim3A_58 : vector<16xi1>) value(%get3A_57 : vector<16xi32>) : vector<16xi1>, vector<16xi32>
      %gather3A = tpu.vector_load_idx %arg10[%get3A_57] : memref<10240xi32, #tpu.memory_space<vmem>>[vector<16xi32>], vector<16xi32>,
      %add3A_60 = arith.addi %gather3A, %unique3A_59 : vector<16xi32>
      %sub3A_61 = arith.constant 1 : i32
      %sub3A_62 = vector.broadcast %sub3A_61 : i32 to vector<16xi32>
      %sub3A_63 = arith.subi %add3A_60, %sub3A_62 : vector<16xi32>
      %mul3A_64 = arith.constant 16 : i32
      %mul3A_65 = arith.muli %while3A_54, %mul3A_64 : i32
      %swap3A = arith.index_cast %mul3A_65 : i32 to index
      %swap3A_66 = tpu.vector_load %arg11[%swap3A] {strides = array<i32>} : memref<5120xi32, #tpu.memory_space<vmem>>, vector<16xi32>,
      tpu.vector_store %arg11[%swap3A], %sub3A_63 {strides = array<i32>} : memref<5120xi32, #tpu.memory_space<vmem>>, vector<16xi32>,
      %add3A_67 = arith.addi %gather3A, %unique3A_59 : vector<16xi32>
      tpu.vector_store_idx %arg10[%get3A_57], %add3A_67 masked %unique3A : memref<10240xi32, #tpu.memory_space<vmem>>[vector<16xi32>], vector<16xi32>, vector<16xi1>
    }
    %mul3A_52 = arith.constant 5120 : i32
    %mul3A_53 = arith.muli %add3A, %mul3A_52 : i32
    "tpu.region"() ({
      %run_scoped3A = tpu.sem_alloc : memref<!tpu.dma_semaphore, #tpu.memory_space<semaphore_mem>>
      %dma_start3A = tpu.memref_slice %arg5[%mul3A_53] : memref<163840xi32, #tpu.memory_space<hbm>> -> memref<5120xi32, #tpu.memory_space<hbm>>
      %dma_start3A_54 = tpu.memref_slice %arg5[%mul3A_53] : memref<163840xi32, #tpu.memory_space<hbm>> -> memref<5120xi32, #tpu.memory_space<hbm>>
      tpu.enqueue_dma source(%arg11 : memref<5120xi32, #tpu.memory_space<vmem>>) target(%dma_start3A_54 : memref<5120xi32, #tpu.memory_space<hbm>>) target_semaphore(%run_scoped3A : memref<!tpu.dma_semaphore, #tpu.memory_space<semaphore_mem>>)
      %dma_wait3A = tpu.memref_slice %arg5[%mul3A_53] : memref<163840xi32, #tpu.memory_space<hbm>> -> memref<5120xi32, #tpu.memory_space<hbm>>
      %dma_wait3A_55 = tpu.memref_slice %arg5[%mul3A_53] : memref<163840xi32, #tpu.memory_space<hbm>> -> memref<5120xi32, #tpu.memory_space<hbm>>
      tpu.wait_dma2 semaphore(%run_scoped3A : memref<!tpu.dma_semaphore, #tpu.memory_space<semaphore_mem>>) src(%arg11 : memref<5120xi32, #tpu.memory_space<vmem>>) dst(%dma_wait3A_55 : memref<5120xi32, #tpu.memory_space<hbm>>)
      tpu.yield
    }) : () -> ()
    "tpu.region"() ({
      %run_scoped3A = tpu.sem_alloc : memref<!tpu.dma_semaphore, #tpu.memory_space<semaphore_mem>>
      %dma_start3A = arith.constant 0 : i32
      %dma_start3A_54 = tpu.memref_slice %arg6[%add3A, %dma_start3A] : memref<32x10240xi32, #tpu.memory_space<hbm>> -> memref<1x10240xi32, #tpu.memory_space<hbm>>
      %dma_start3A_55 = tpu.memref_squeeze %dma_start3A_54 : memref<1x10240xi32, #tpu.memory_space<hbm>> -> memref<10240xi32, #tpu.memory_space<hbm>>
      %dma_start3A_56 = arith.constant 0 : i32
      %dma_start3A_57 = tpu.memref_slice %arg6[%add3A, %dma_start3A_56] : memref<32x10240xi32, #tpu.memory_space<hbm>> -> memref<1x10240xi32, #tpu.memory_space<hbm>>
      %dma_start3A_58 = tpu.memref_squeeze %dma_start3A_57 : memref<1x10240xi32, #tpu.memory_space<hbm>> -> memref<10240xi32, #tpu.memory_space<hbm>>
      tpu.enqueue_dma source(%arg10 : memref<10240xi32, #tpu.memory_space<vmem>>) target(%dma_start3A_58 : memref<10240xi32, #tpu.memory_space<hbm>>) target_semaphore(%run_scoped3A : memref<!tpu.dma_semaphore, #tpu.memory_space<semaphore_mem>>)
      %dma_wait3A = arith.constant 0 : i32
      %dma_wait3A_59 = tpu.memref_slice %arg6[%add3A, %dma_wait3A] : memref<32x10240xi32, #tpu.memory_space<hbm>> -> memref<1x10240xi32, #tpu.memory_space<hbm>>
      %dma_wait3A_60 = tpu.memref_squeeze %dma_wait3A_59 : memref<1x10240xi32, #tpu.memory_space<hbm>> -> memref<10240xi32, #tpu.memory_space<hbm>>
      %dma_wait3A_61 = arith.constant 0 : i32
      %dma_wait3A_62 = tpu.memref_slice %arg6[%add3A, %dma_wait3A_61] : memref<32x10240xi32, #tpu.memory_space<hbm>> -> memref<1x10240xi32, #tpu.memory_space<hbm>>
      %dma_wait3A_63 = tpu.memref_squeeze %dma_wait3A_62 : memref<1x10240xi32, #tpu.memory_space<hbm>> -> memref<10240xi32, #tpu.memory_space<hbm>>
      tpu.wait_dma2 semaphore(%run_scoped3A : memref<!tpu.dma_semaphore, #tpu.memory_space<semaphore_mem>>) src(%arg10 : memref<10240xi32, #tpu.memory_space<vmem>>) dst(%dma_wait3A_63 : memref<10240xi32, #tpu.memory_space<hbm>>)
      tpu.yield
    }) : () -> ()
    return
  }
}

</mosaic_0001>

<sc_bundles>
// kernel: mp_combine.3.cloned.1.call-start
scs
__scs_entry_jumppad:
0x0: {  	(pc) =	sbr.rel $0x88, $3  }
0x1: {  	(tag) =	ssettag $0x0;
	lr =	simm.s32 $0x1  }
0x2: {  	[smem:$0x3F9F] =	sst lr;
	_ =	strace $0xD0000000  }
0x3: {  	_ = 	snop  }
0x4: {  	_ = 	snop  }
0x5: {  	_ = 	snop  }
0x6: {  	_ = 	snop  }
0x7: {  	_ = 	snop  }
__scs_overlays_trampoline_lowered:
0x8: {  	[smem:$0x3FAE] =	sst s0  }
0x9: {  	[smem:$0x3FAF] =	sst s1  }
0xa: {  	[smem:$0x3FB0] =	sst s2  }
0xb: {  	[smem:$0x3FB1] =	sst s3  }
0xc: {  	[smem:$0x3FB2] =	sst s4  }
0xd: {  	[smem:$0x3FB3] =	sst s5  }
0xe: {  	[smem:$0x3FB4] =	sst s6  }
0xf: {  	[smem:$0x3FB5] =	sst s7  }
0x10: {  	[smem:$0x3FB6] =	sst s8  }
0x11: {  	[smem:$0x3FB7] =	sst s9;
	s0 =	simm.s32 @!p0 $0x0  }
0x12: {  	s1 =	sld [smem:$0x3F9D];
	s0 =	simm.s32 @p0 $0x1  }
0x13: {  	[smem:$0x3FB8] =	sst s0;
	s0 =	simm.s32 @!p1 $0x0  }
0x14: {  	s2 =	sld [smem:$0x3F9C];
	s0 =	simm.s32 @p1 $0x1  }
0x15: {  	[smem:$0x3FB9] =	sst s0;
	s0 =	simm.s32 @!p2 $0x0  }
0x16: {  	s3 =	sld [smem:$0x3FDB];
	s0 =	simm.s32 @p2 $0x1  }
0x17: {  	s4 =	simm.s32 $0x1BF5;
	[smem:$0x3FBB] =	sst s0  }
0x18: {  	s0 =	sld [smem:$0x3F9E];
	_ =	swait.ge [sflag:s4], $0x0  }
0x19: {  	s7 =	sld [smem:$0x3F9F]  }
0x1a: {  	s8 =	sadd.s32 $0xFFFFE003, lr  }
0x1b: {  	s9 =	sadd.s32 $0xFFFFFEF7, lr;
	s5 =	simm.s32 $0xFFFFFFFF;
	p2 =	slt.u32 s8, $0xFFFFF086  }
0x1c: {  	p1 =	slt.u32 s9, $0xF7A;
	s5 =	simm.s32 @!p2 $0x0  }
0x1d: {  	s5 =	simm.s32 @p1 $0x1;
	p0 =	seq.s32 s7, s2  }
0x1e: {  	s7 =	smul.u32 @!p0 $0xF7A, s2;
	p2 =	seq.s32 @!p0 s5, $0x0  }
0x1f: {  	s9 =	smul.u32 $0xF7A, s1;
	s8 =	simm.s32 @!p0 $0x1BF5;
	p2 =	por !p2, p0  }
0x20: {  	[sflag:s8] =	ssyncset.s32 @!p0 $0xFFFFF086;
	s6 =	sadd.s32 @!p0 s3, s7;
	s7 =	simm.s32 @!p0 $0x108  }
0x21: {  	s3 =	sadd.s32 s3, s9;
	s6 =	sadd.s32 @!p0 $0x88, s6;
	s7 =	simm.s32 @p2 $0x1082  }
0x22: {  	[simem:s7], [sflag:s8] =	dma.local @!p0 [hbm:s6], $0xF7A  }
0x23: {  	s9 =	sor.u32 $0xD0000000, s2;
	s6 =	simm.s32 $0x108;
	_ =	swait.ge @!p0 [sflag:s8], $0x0  }
0x24: {  	s3 =	sadd.s32 $0x88, s3;
	s6 =	simm.s32 @!p1 $0x1082;
	[sflag:s4] =	ssyncset.s32 $0xFFFFF086  }
0x25: {  	[simem:s6], [sflag:s4] =	dma.local [hbm:s3], $0xF7A  }
0x26: {  	[smem:$0x3F9F] =	sst s1;
	(tag) =	ssettag s2;
	_ =	strace s9  }
0x27: {  	s1 =	sld [smem:$0x3FAF]  }
0x28: {  	s2 =	sld [smem:$0x3FB0]  }
0x29: {  	s4 =	sld [smem:$0x3FB2]  }
0x2a: {  	p0 =	seq.s32 s5, $0x0;
	s5 =	sld [smem:$0x3FB3]  }
0x2b: {  	s6 =	sld [smem:$0x3FB4]  }
0x2c: {  	s7 =	sld [smem:$0x3FB5]  }
0x2d: {  	s3 =	simm.s32 $0x108;
	s8 =	sld [smem:$0x3FB6]  }
0x2e: {  	s3 =	simm.s32 @!p0 $0x1082;
	s9 =	sld [smem:$0x3FB7]  }
0x2f: {  	lr =	sadd.s32 s0, s3;
	s0 =	sld [smem:$0x3FAE]  }
0x30: {  	s3 =	sld [smem:$0x3FB1]  }
0x31: {  	[smem:$0x3FBA] =	sst s10  }
0x32: {  	s10 =	sld [smem:$0x3FB8];
	_ =	sdelay $0x3  }
0x33: {  	p0 =	seq.s32 s10, $0x1;
	s10 =	sld [smem:$0x3FBA];
	_ =	sdelay $0x3  }
0x34: {  	[smem:$0x3FBA] =	sst s10  }
0x35: {  	s10 =	sld [smem:$0x3FB9];
	_ =	sdelay $0x3  }
0x36: {  	p1 =	seq.s32 s10, $0x1;
	s10 =	sld [smem:$0x3FBA];
	_ =	sdelay $0x3  }
0x37: {  	[smem:$0x3FBA] =	sst s10  }
0x38: {  	s10 =	sld [smem:$0x3FBB]  }
0x39: {  	_ = 	snop;
	(pc) =	sbr.ind lr, $3  }
0x3a: {  	_ = 	snop  }
0x3b: {  	_ = 	snop  }
0x3c: {  	p2 =	seq.s32 s10, $0x1;
	s10 =	sld [smem:$0x3FBA]  }
0x3d: {  	_ =	shalt  }
0x3e: {  	_ =	shalt  }
0x3f: {  	_ =	shalt  }
0x40: {  	_ =	shalt  }
0x41: {  	_ =	shalt  }
0x42: {  	_ =	shalt  }
0x43: {  	_ =	shalt  }
0x44: {  	_ =	shalt  }
0x45: {  	_ =	shalt  }
0x46: {  	_ =	shalt  }
0x47: {  	_ =	shalt  }
0x48: {  	_ =	shalt  }
0x49: {  	_ =	shalt  }
0x4a: {  	_ =	shalt  }
0x4b: {  	_ =	shalt  }
0x4c: {  	_ =	shalt  }
0x4d: {  	_ =	shalt  }
0x4e: {  	_ =	shalt  }
0x4f: {  	_ =	shalt  }
0x50: {  	_ =	shalt  }
0x51: {  	_ =	shalt  }
0x52: {  	_ =	shalt  }
0x53: {  	_ =	shalt  }
0x54: {  	_ =	shalt  }
0x55: {  	_ =	shalt  }
0x56: {  	_ =	shalt  }
0x57: {  	_ =	shalt  }
0x58: {  	_ =	shalt  }
0x59: {  	_ =	shalt  }
0x5a: {  	_ =	shalt  }
0x5b: {  	_ =	shalt  }
0x5c: {  	_ =	shalt  }
0x5d: {  	_ =	shalt  }
0x5e: {  	_ =	shalt  }
0x5f: {  	_ =	shalt  }
0x60: {  	_ =	shalt  }
0x61: {  	_ =	shalt  }
0x62: {  	_ =	shalt  }
0x63: {  	_ =	shalt  }
0x64: {  	_ =	shalt  }
0x65: {  	_ =	shalt  }
0x66: {  	_ =	shalt  }
0x67: {  	_ =	shalt  }
0x68: {  	_ =	shalt  }
0x69: {  	_ =	shalt  }
0x6a: {  	_ =	shalt  }
0x6b: {  	_ =	shalt  }
0x6c: {  	_ =	shalt  }
0x6d: {  	_ =	shalt  }
0x6e: {  	_ =	shalt  }
0x6f: {  	_ =	shalt  }
0x70: {  	_ =	shalt  }
0x71: {  	_ =	shalt  }
0x72: {  	_ =	shalt  }
0x73: {  	_ =	shalt  }
0x74: {  	_ =	shalt  }
0x75: {  	_ =	shalt  }
0x76: {  	_ =	shalt  }
0x77: {  	_ =	shalt  }
0x78: {  	_ =	shalt  }
0x79: {  	_ =	shalt  }
0x7a: {  	_ =	shalt  }
0x7b: {  	_ =	shalt  }
0x7c: {  	_ =	shalt  }
0x7d: {  	_ =	shalt  }
0x7e: {  	_ =	shalt  }
0x7f: {  	_ =	shalt  }
0x80: {  	_ =	shalt  }
0x81: {  	_ =	shalt  }
0x82: {  	_ =	shalt  }
0x83: {  	_ =	shalt  }
0x84: {  	_ =	shalt  }
0x85: {  	_ =	shalt  }
0x86: {  	_ =	shalt  }
0x87: {  	_ =	shalt  }
.Lfunc_end0:
.L_simem_size_0:
called_computation.2_lowered:
.L_overlay_start_0:
0x88: {  	s2 =	sld [smem:$0x3FD9]  }
0x89: {  	s3 =	sld [smem:$0x3FFE];
	_ =	sdelay $0x1  }
0x8a: {  	s1 =	srdreg.scid  }
0x8b: {  	s0 =	sand.u32 $0x1, s1  }
0x8c: {  	s14 =	sshll.u32 s0, $0xA;
	s2 =	sadd.s32 s3, s2  }
0x8d: {  	s2 =	sadd.s32 s2, s14  }
0x8e: {  	[smem:$0x3FC6] =	sst s2  }
0x8f: {  	_ = 	snop  }
0x90: {  	s2 =	sld [smem:$0x3FD0];
	_ =	sdelay $0x2  }
0x91: {  	s15 =	simm.s32 $0xA;
	s4 =	simm.s32 $0x10  }
0x92: {  	[smem:s4], [sflag:s15] =	dma.local [hbm:s2], $0x1  }
0x93: {  	_ =	swait.eq [sflag:s15], $0x1  }
0x94: {  	[sflag:s15] =	ssyncset.done $0x0  }
0x95: {  	[sflag:s15] =	ssyncadd.s32 $0xFFFFFFFF  }
0x96: {  	s16 =	sld [smem:$0x11];
	(tm) =	ssettm $0x1  }
0x97: {  	s17 =	sld [smem:$0x3FFB];
	_ =	sdelay $0x3  }
0x98: {  	_ =	strace s17  }
0x99: {  	s3 =	sld [smem:$0x3FFC];
	_ =	sdelay $0x3  }
0x9a: {  	_ =	strace s3  }
0x9b: {  	s3 =	sld [smem:$0x3FFD];
	_ =	sdelay $0x3  }
0x9c: {  	_ =	strace s3  }
0x9d: {  	_ =	strace $0x8FFFFFFF  }
0x9e: {  	s18 =	sld [smem:$0x3FDB];
	_ =	sdelay $0x1  }
0x9f: {  	s19 =	simm.s32 $_scs_section_size  }
0xa0: {  	s5 =	simm.s32 $_size__tile_overlayer_lowered;
	s6 =	simm.s32 $_tile_overlayer_lowered  }
0xa1: {  	s22 =	simm.s32 $0x1BFF;
	s21 =	sshll.u32 s6, $0x1;
	s3 =	sadd.s32 s19, s18  }
0xa2: {  	s7 =	simm.s32 $0x0;
	s20 =	sshll.u32 s5, $0x1;
	s5 =	sadd.s32 s21, s3  }
0xa3: {  	[timem:s7], [sflag:s22] =	dma.local [hbm:s5], s20  }
0xa4: {  	_ =	swait.ge [sflag:s22], s20  }
0xa5: {  	s4 =	ssub.s32 $0x0, s20;
	[sflag:s22] =	ssyncset.done $0x0  }
0xa6: {  	[sflag:s22] =	ssyncadd.s32 s4;
	_ =	sdelay $0x1  }
0xa7: {  	s23 =	simm.s32 $0x1B8B  }
0xa8: {  	_ =	swait.ge [sflag:s23], $0x1  }
0xa9: {  	[sflag:s23] =	ssyncset.done $0x0  }
0xaa: {  	s25 =	simm.s32 $0x1B8E;
	s24 =	sld [smem:$0x3FFE];
	[sflag:s23] =	ssyncadd.s32 $0xFFFFFFFF  }
0xab: {  	s26 =	simm.s32 $execute0_lowered;
	[smem:$0x3FD2] =	sst s25  }
0xac: {  	s5 =	sshll.u32 s26, $0x1;
	_ =	strace $0x8000004C;
	[dreg:$0x1] =	wrdreg $0xFFFFFFFF  }
0xad: {  	s28 =	simm.s32 $_size_execute0_lowered;
	s3 =	sadd.s32 s3, s5;
	[dreg:$0x0] =	wrdreg $0x0  }
0xae: {  	s5 =	sshll.u32 s28, $0x1;
	[dreg:$0x2] =	wrdreg s3  }
0xaf: {  	[dreg:$0x3] =	wrdreg s5  }
0xb0: {  	[dreg:$0x4] =	wrdreg $0xC0  }
0xb1: {  	_ =	task [dreg:s7], $0x5FFFF  }
0xb2: {  	[dreg:$0x1] =	wrdreg $0xFFFFFFFF  }
0xb3: {  	[dreg:$0x0] =	wrdreg $0x60  }
0xb4: {  	[dreg:$0x2] =	wrdreg s24  }
0xb5: {  	[dreg:$0x3] =	wrdreg s16  }
0xb6: {  	[dreg:$0x4] =	wrdreg $0x9  }
0xb7: {  	_ =	task.clear_ibuf [dreg:s7], $0x5FFFF;
	_ =	strace $0x9000004C  }
0xb8: {  	s29 =	simm.s32 $0x9;
	_ =	strace $0x8000004E  }
0xb9: {  	_ =	swait.ge [sflag:s29], $0x1  }
0xba: {  	[sflag:s29] =	ssyncadd.s32 $0xFFFFFFFF  }
0xbb: {  	_ =	strace $0x9000004E  }
0xbc: {  	_ =	sfence  }
0xbd: {  	s30 =	sld [smem:$0x0];
	_ =	sdelay $0x2  }
0xbe: {  	s31 =	sshll.u32 s1, $0xD;
	s1 =	sshrl.u32 s1, $0x2  }
0xbf: {  	s3 =	sand.u32 $0x4000, s31;
	s1 =	sadd.s32 s1, s30  }
0xc0: {  	s0 =	sor.u32 s3, s0;
	s1 =	sshll.u32 s1, $0x11  }
0xc1: {  	s0 =	sor.u32 s1, s0  }
0xc2: {  	s0 =	sadd.s32 $0x8F2B, s0  }
0xc3: {  	[sflag:s0] =	ssyncadd.remote.s32 $0x1  }
0xc4: {  	_ =	sfence.sel $0xFFFF  }
0xc5: {  	[dreg:$0x0] =	wrdreg $0xFFFFFFFF;
	(pc) =	sbr.abs _section_cstart, $3  }
0xc6: {  	[dreg:$0x1] =	wrdreg $0xFFFFFFFF  }
0xc7: {  	_ =	task.clear_ibuf [dreg:s7], $0x2FFFF;
	_ =	strace $0x9FFFFFFF  }
0xc8: {  	(tm) =	ssettm $0x7FFFFFFF  }
0xc9: {  	_ =	shalt  }
tec
execute0_lowered:
.L_overlay_start_1:
0x0: {  	(tag) =	ssettag $0x1  }
0x1: {  	s1 =	srdreg.scid;
	s3 =	rddreg [dreg:$0x0]  }
0x2: {  	s0 =	stileid.u32;
	s6 =	rddreg [dreg:$0x1]  }
0x3: {  	s2 =	simm.s32 $0x0;
	s4 =	sand.u32 $0x1, s1;
	s29 =	sshll.u32 s0, $0x1  }
0x4: {  	s10 =	simm.s32 $0x1400;
	s11 =	simm.s32 $0x5000;
	s5 =	sor.u32 s4, s29  }
0x5: {  	s12 =	simm.s32 $0x0;
	s1 =	rddreg [dreg:$0x2];
	s7 =	smul.u32 $0x500, s5  }
0x6: {  	[smem:$0x7FF] =	sst s2;
	s4 =	ssub.s32 $0x2, s4;
	s8 =	smul.u32 $0x280, s5  }
0x7: {  	_ =	strace $0x8000004D;
	s31 =	sshrl.u32 s4, $0x1;
	s30 =	sadd.s32 s7, s3  }
0x8: {  	s9 =	sadd.s32 s8, s3;
	s7 =	ssub.s32 s4, s31;
	s6 =	sadd.s32 s6, s8  }
0x9: {  	s8 =	simm.s32 $0x2800;
	s3 =	sadd.s32 $0x5C00, s30;
	s4 =	sadd.s32 $0xC00, s9  }
0xa: {  	s5 =	sadd.s32 $0xFC00, s9;
	s7 =	smax.u32 s7, $0x1;
	s9 =	simm.s32 $0x1  }
.LBB2_1:
0xb: {  	[tilespmem:s8], [sflag:$0x1] =	stream.linear.gather [hbm4b:s3+s2], $0x2800, $0x38;
	[tilespmem:$0x6400] =	vst v63  }
0xc: {  	_ =	swait.ge [sflag:s9], $0x2800  }
0xd: {  	[sflag:s9] =	ssyncset.done $0x0  }
0xe: {  	[sflag:s9] =	ssyncadd.s32 $0xFFFFD800  }
0xf: {  	[tilespmem:s2], [sflag:$0x1] =	stream.linear.gather [hbm4b:s4+s2], $0x1400, $0x38;
	[tilespmem:$0x6400] =	vst v63  }
0x10: {  	_ =	swait.ge [sflag:s9], $0x1400  }
0x11: {  	[sflag:s9] =	ssyncset.done $0x0  }
0x12: {  	[sflag:s9] =	ssyncadd.s32 $0xFFFFEC00  }
0x13: {  	[tilespmem:s10], [sflag:$0x1] =	stream.linear.gather [hbm4b:s5+s2], $0x1400, $0x38;
	[tilespmem:$0x6400] =	vst v63  }
0x14: {  	_ =	swait.ge [sflag:s9], $0x1400  }
0x15: {  	[sflag:s9] =	ssyncset.done $0x0  }
0x16: {  	s13 =	simm.s32 $0x0;
	[sflag:s9] =	ssyncadd.s32 $0xFFFFEC00  }
0x17: {  	v1 =	vld [tilespmem:s13+$0x0];
	_ =	sdelay $0x6  }
0x18: {  	v0 =	vld [tilespmem:s13+$0x1400]  }
0x19: {  	s14 =	simm.s32 $0x10;
	s15 =	simm.s32 $0x80;
	v1 =	vld.idx.msk [tilespmem:v1+s8+$0x0], $0xffff  }
.LBB2_2:
0x1a: {  	p0 =	sne.s32 s15, $0x4FC0;
	v2 =	vld [tilespmem:s14+$0x0];
	_ =	sdelay $0x3  }
.Ltmp0:
0x1b: {  	(pc) =	sbr.rel @p0 .LBB2_2-.Ltmp0, $4  }
0x1c: {  	v0 =	vadd.s32 v0, v1  }
0x1d: {  	[tilespmem:s13+$0x5000] =	vst v0;
	s13 =	smov.u32 s14  }
0x1e: {  	v0 =	vld [tilespmem:s13+$0x1400]  }
0x1f: {  	s14 =	sshra.s32 s15, $0x2;
	s15 =	sadd.s32 $0x40, s15;
	v1 =	vld.idx.msk [tilespmem:v2+s8+$0x0], $0xffff  }
0x20: {  	v2 =	vld [tilespmem:s14+$0x0];
	_ =	sdelay $0x4  }
0x21: {  	v0 =	vadd.s32 v0, v1  }
0x22: {  	[tilespmem:s13+$0x5000] =	vst v0  }
0x23: {  	v0 =	vld [tilespmem:s14+$0x1400]  }
0x24: {  	v63 =	vld.idx.msk [tilespmem:v2+s8+$0x0], $0xffff;
	_ =	sdelay $0x3  }
0x25: {  	s12 =	sadd.s32 $0x1, s12  }
0x26: {  	p0 =	sne.s32 s12, s7;
	v0 =	vadd.s32 v0, v63  }
.Ltmp1:
0x27: {  	[tilespmem:s14+$0x5000] =	vst v0;
	(pc) =	sbr.rel @p0 .LBB2_1-.Ltmp1, $4  }
0x28: {  	[hbm4b:s6+s2] =	stream.linear.scatter [tilespmem:s11], [sflag:$0x1], $0x1400, $0x38;
	[tilespmem:$0x6400] =	vst v63  }
0x29: {  	_ =	swait.ge [sflag:s9], $0x1400  }
0x2a: {  	[sflag:s9] =	ssyncset.done $0x0  }
0x2b: {  	[sflag:s9] =	ssyncadd.s32 $0xFFFFEC00  }
0x2c: {  	_ =	sfence.sel $0x180000  }
0x2d: {  	[bflag:$0x0] =	sbarrier.arrive $0xFFFF  }
0x2e: {  	p0 =	sne.s32 s0, $0x0;
	_ =	strace $0x9000004D  }
0x2f: {  	s0 =	sadd.s32 @!p0 $0x100000, s1;
	[bflag:$0x2] =	sbarrier.arrive $0xFFFF  }
0x30: {  	[sflag:s0] =	ssyncadd.tile.s32 @!p0 $0x1;
	_ =	shalt  }
.Lfunc_end2:
_tile_overlayer_lowered:
.L_overlay_start_2:
0x31: {  	(tag) =	ssettag $0x2  }
0x32: {  	s0 =	rddreg [dreg:$0x0];
	s2 =	stileid.u32  }
0x33: {  	s1 =	rddreg [dreg:$0x1];
	p0 =	sne.s32 s2, $0x0  }
0x34: {  	s3 =	rddreg [dreg:$0x2];
	[bflag:$0x3] =	sbarrier.arrive $0xFFFF;
	s2 =	simm.s32 @!p0 $0x1C01  }
0x35: {  	[timem:s3], [sflag:s2] =	dma.local @!p0 [hbm:s0], s1  }
0x36: {  	s0 =	simm.s32 @!p0 $0x1  }
0x37: {  	_ =	swait.ge @!p0 [sflag:s0], s1  }
0x38: {  	s1 =	ssub.s32 @!p0 $0x0, s1;
	[sflag:s0] =	ssyncset.done @!p0 $0x0  }
0x39: {  	[sflag:s0] =	ssyncadd.s32 @!p0 s1  }
0x3a: {  	[bflag:$0x3] =	sbarrier.arrive $0xFFFF  }
0x3b: {  	_ =	shalt  }

// kernel: mp_count_gather1.3.cloned.1.call-start
scs
__scs_entry_jumppad:
0x0: {  	(pc) =	sbr.rel $0x88, $3  }
0x1: {  	(tag) =	ssettag $0x0;
	lr =	simm.s32 $0x1  }
0x2: {  	[smem:$0x3F9F] =	sst lr;
	_ =	strace $0xD0000000  }
0x3: {  	_ = 	snop  }
0x4: {  	_ = 	snop  }
0x5: {  	_ = 	snop  }
0x6: {  	_ = 	snop  }
0x7: {  	_ = 	snop  }
__scs_overlays_trampoline_lowered:
0x8: {  	[smem:$0x3FAE] =	sst s0  }
0x9: {  	[smem:$0x3FAF] =	sst s1  }
0xa: {  	[smem:$0x3FB0] =	sst s2  }
0xb: {  	[smem:$0x3FB1] =	sst s3  }
0xc: {  	[smem:$0x3FB2] =	sst s4  }
0xd: {  	[smem:$0x3FB3] =	sst s5  }
0xe: {  	[smem:$0x3FB4] =	sst s6  }
0xf: {  	[smem:$0x3FB5] =	sst s7  }
0x10: {  	[smem:$0x3FB6] =	sst s8  }
0x11: {  	[smem:$0x3FB7] =	sst s9;
	s0 =	simm.s32 @!p0 $0x0  }
0x12: {  	s1 =	sld [smem:$0x3F9D];
	s0 =	simm.s32 @p0 $0x1  }
0x13: {  	[smem:$0x3FB8] =	sst s0;
	s0 =	simm.s32 @!p1 $0x0  }
0x14: {  	s2 =	sld [smem:$0x3F9C];
	s0 =	simm.s32 @p1 $0x1  }
0x15: {  	[smem:$0x3FB9] =	sst s0;
	s0 =	simm.s32 @!p2 $0x0  }
0x16: {  	s3 =	sld [smem:$0x3FDB];
	s0 =	simm.s32 @p2 $0x1  }
0x17: {  	s4 =	simm.s32 $0x1BF5;
	[smem:$0x3FBB] =	sst s0  }
0x18: {  	s0 =	sld [smem:$0x3F9E];
	_ =	swait.ge [sflag:s4], $0x0  }
0x19: {  	s7 =	sld [smem:$0x3F9F]  }
0x1a: {  	s8 =	sadd.s32 $0xFFFFE003, lr  }
0x1b: {  	s9 =	sadd.s32 $0xFFFFFEF7, lr;
	s5 =	simm.s32 $0xFFFFFFFF;
	p2 =	slt.u32 s8, $0xFFFFF086  }
0x1c: {  	p1 =	slt.u32 s9, $0xF7A;
	s5 =	simm.s32 @!p2 $0x0  }
0x1d: {  	s5 =	simm.s32 @p1 $0x1;
	p0 =	seq.s32 s7, s2  }
0x1e: {  	s7 =	smul.u32 @!p0 $0xF7A, s2;
	p2 =	seq.s32 @!p0 s5, $0x0  }
0x1f: {  	s9 =	smul.u32 $0xF7A, s1;
	s8 =	simm.s32 @!p0 $0x1BF5;
	p2 =	por !p2, p0  }
0x20: {  	[sflag:s8] =	ssyncset.s32 @!p0 $0xFFFFF086;
	s6 =	sadd.s32 @!p0 s3, s7;
	s7 =	simm.s32 @!p0 $0x108  }
0x21: {  	s3 =	sadd.s32 s3, s9;
	s6 =	sadd.s32 @!p0 $0x88, s6;
	s7 =	simm.s32 @p2 $0x1082  }
0x22: {  	[simem:s7], [sflag:s8] =	dma.local @!p0 [hbm:s6], $0xF7A  }
0x23: {  	s9 =	sor.u32 $0xD0000000, s2;
	s6 =	simm.s32 $0x108;
	_ =	swait.ge @!p0 [sflag:s8], $0x0  }
0x24: {  	s3 =	sadd.s32 $0x88, s3;
	s6 =	simm.s32 @!p1 $0x1082;
	[sflag:s4] =	ssyncset.s32 $0xFFFFF086  }
0x25: {  	[simem:s6], [sflag:s4] =	dma.local [hbm:s3], $0xF7A  }
0x26: {  	[smem:$0x3F9F] =	sst s1;
	(tag) =	ssettag s2;
	_ =	strace s9  }
0x27: {  	s1 =	sld [smem:$0x3FAF]  }
0x28: {  	s2 =	sld [smem:$0x3FB0]  }
0x29: {  	s4 =	sld [smem:$0x3FB2]  }
0x2a: {  	p0 =	seq.s32 s5, $0x0;
	s5 =	sld [smem:$0x3FB3]  }
0x2b: {  	s6 =	sld [smem:$0x3FB4]  }
0x2c: {  	s7 =	sld [smem:$0x3FB5]  }
0x2d: {  	s3 =	simm.s32 $0x108;
	s8 =	sld [smem:$0x3FB6]  }
0x2e: {  	s3 =	simm.s32 @!p0 $0x1082;
	s9 =	sld [smem:$0x3FB7]  }
0x2f: {  	lr =	sadd.s32 s0, s3;
	s0 =	sld [smem:$0x3FAE]  }
0x30: {  	s3 =	sld [smem:$0x3FB1]  }
0x31: {  	[smem:$0x3FBA] =	sst s10  }
0x32: {  	s10 =	sld [smem:$0x3FB8];
	_ =	sdelay $0x3  }
0x33: {  	p0 =	seq.s32 s10, $0x1;
	s10 =	sld [smem:$0x3FBA];
	_ =	sdelay $0x3  }
0x34: {  	[smem:$0x3FBA] =	sst s10  }
0x35: {  	s10 =	sld [smem:$0x3FB9];
	_ =	sdelay $0x3  }
0x36: {  	p1 =	seq.s32 s10, $0x1;
	s10 =	sld [smem:$0x3FBA];
	_ =	sdelay $0x3  }
0x37: {  	[smem:$0x3FBA] =	sst s10  }
0x38: {  	s10 =	sld [smem:$0x3FBB]  }
0x39: {  	_ = 	snop;
	(pc) =	sbr.ind lr, $3  }
0x3a: {  	_ = 	snop  }
0x3b: {  	_ = 	snop  }
0x3c: {  	p2 =	seq.s32 s10, $0x1;
	s10 =	sld [smem:$0x3FBA]  }
0x3d: {  	_ =	shalt  }
0x3e: {  	_ =	shalt  }
0x3f: {  	_ =	shalt  }
0x40: {  	_ =	shalt  }
0x41: {  	_ =	shalt  }
0x42: {  	_ =	shalt  }
0x43: {  	_ =	shalt  }
0x44: {  	_ =	shalt  }
0x45: {  	_ =	shalt  }
0x46: {  	_ =	shalt  }
0x47: {  	_ =	shalt  }
0x48: {  	_ =	shalt  }
0x49: {  	_ =	shalt  }
0x4a: {  	_ =	shalt  }
0x4b: {  	_ =	shalt  }
0x4c: {  	_ =	shalt  }
0x4d: {  	_ =	shalt  }
0x4e: {  	_ =	shalt  }
0x4f: {  	_ =	shalt  }
0x50: {  	_ =	shalt  }
0x51: {  	_ =	shalt  }
0x52: {  	_ =	shalt  }
0x53: {  	_ =	shalt  }
0x54: {  	_ =	shalt  }
0x55: {  	_ =	shalt  }
0x56: {  	_ =	shalt  }
0x57: {  	_ =	shalt  }
0x58: {  	_ =	shalt  }
0x59: {  	_ =	shalt  }
0x5a: {  	_ =	shalt  }
0x5b: {  	_ =	shalt  }
0x5c: {  	_ =	shalt  }
0x5d: {  	_ =	shalt  }
0x5e: {  	_ =	shalt  }
0x5f: {  	_ =	shalt  }
0x60: {  	_ =	shalt  }
0x61: {  	_ =	shalt  }
0x62: {  	_ =	shalt  }
0x63: {  	_ =	shalt  }
0x64: {  	_ =	shalt  }
0x65: {  	_ =	shalt  }
0x66: {  	_ =	shalt  }
0x67: {  	_ =	shalt  }
0x68: {  	_ =	shalt  }
0x69: {  	_ =	shalt  }
0x6a: {  	_ =	shalt  }
0x6b: {  	_ =	shalt  }
0x6c: {  	_ =	shalt  }
0x6d: {  	_ =	shalt  }
0x6e: {  	_ =	shalt  }
0x6f: {  	_ =	shalt  }
0x70: {  	_ =	shalt  }
0x71: {  	_ =	shalt  }
0x72: {  	_ =	shalt  }
0x73: {  	_ =	shalt  }
0x74: {  	_ =	shalt  }
0x75: {  	_ =	shalt  }
0x76: {  	_ =	shalt  }
0x77: {  	_ =	shalt  }
0x78: {  	_ =	shalt  }
0x79: {  	_ =	shalt  }
0x7a: {  	_ =	shalt  }
0x7b: {  	_ =	shalt  }
0x7c: {  	_ =	shalt  }
0x7d: {  	_ =	shalt  }
0x7e: {  	_ =	shalt  }
0x7f: {  	_ =	shalt  }
0x80: {  	_ =	shalt  }
0x81: {  	_ =	shalt  }
0x82: {  	_ =	shalt  }
0x83: {  	_ =	shalt  }
0x84: {  	_ =	shalt  }
0x85: {  	_ =	shalt  }
0x86: {  	_ =	shalt  }
0x87: {  	_ =	shalt  }
.Lfunc_end0:
.L_simem_size_0:
called_computation_lowered:
.L_overlay_start_0:
0x88: {  	s2 =	sld [smem:$0x3FD9]  }
0x89: {  	s3 =	sld [smem:$0x3FFE];
	_ =	sdelay $0x1  }
0x8a: {  	s1 =	srdreg.scid  }
0x8b: {  	s0 =	sand.u32 $0x1, s1  }
0x8c: {  	s14 =	sshll.u32 s0, $0xA;
	s2 =	sadd.s32 s3, s2  }
0x8d: {  	s2 =	sadd.s32 s2, s14  }
0x8e: {  	[smem:$0x3FC6] =	sst s2  }
0x8f: {  	_ = 	snop  }
0x90: {  	s2 =	sld [smem:$0x3FD0];
	_ =	sdelay $0x2  }
0x91: {  	s4 =	simm.s32 $0xA;
	s5 =	simm.s32 $0x10;
	s15 =	sld [smem:$0x3FC9]  }
0x92: {  	[smem:s5], [sflag:s4] =	dma.local [hbm:s2], $0x1  }
0x93: {  	_ =	swait.eq [sflag:s4], $0x1  }
0x94: {  	[sflag:s4] =	ssyncset.done $0x0  }
0x95: {  	s16 =	sld [smem:$0x10];
	[sflag:s4] =	ssyncadd.s32 $0xFFFFFFFF  }
0x96: {  	s17 =	sld [smem:$0x11];
	(tm) =	ssettm $0x1  }
0x97: {  	s18 =	sld [smem:$0x3FFB];
	_ =	sdelay $0x3  }
0x98: {  	_ =	strace s18  }
0x99: {  	s5 =	sld [smem:$0x3FFC];
	_ =	sdelay $0x3  }
0x9a: {  	_ =	strace s5  }
0x9b: {  	s5 =	sld [smem:$0x3FFD];
	_ =	sdelay $0x3  }
0x9c: {  	_ =	strace s5  }
0x9d: {  	_ =	strace $0x8FFFFFFF  }
0x9e: {  	s19 =	sld [smem:$0x3FDB];
	_ =	sdelay $0x1  }
0x9f: {  	s6 =	simm.s32 $_scs_section_size  }
0xa0: {  	s7 =	simm.s32 $_size__tile_overlayer_lowered;
	s8 =	simm.s32 $_tile_overlayer_lowered  }
0xa1: {  	s22 =	simm.s32 $0x1BFF;
	s21 =	sshll.u32 s8, $0x1;
	s5 =	sadd.s32 s6, s19  }
0xa2: {  	s9 =	simm.s32 $0x0;
	s20 =	sshll.u32 s7, $0x1;
	s7 =	sadd.s32 s21, s5  }
0xa3: {  	[timem:s9], [sflag:s22] =	dma.local [hbm:s7], s20  }
0xa4: {  	_ =	swait.ge [sflag:s22], s20  }
0xa5: {  	s6 =	ssub.s32 $0x0, s20;
	[sflag:s22] =	ssyncset.done $0x0  }
0xa6: {  	[sflag:s22] =	ssyncadd.s32 s6;
	_ =	sdelay $0x1  }
0xa7: {  	s23 =	simm.s32 $0x1B8B  }
0xa8: {  	_ =	swait.ge [sflag:s23], $0x1  }
0xa9: {  	[sflag:s23] =	ssyncset.done $0x0  }
0xaa: {  	s25 =	simm.s32 $0x1B8E;
	s24 =	sld [smem:$0x3FFE];
	[sflag:s23] =	ssyncadd.s32 $0xFFFFFFFF  }
0xab: {  	s26 =	simm.s32 $execute0_lowered;
	[smem:$0x3FD2] =	sst s25  }
0xac: {  	s7 =	sshll.u32 s26, $0x1;
	_ =	strace $0x80000046;
	[dreg:$0x1] =	wrdreg $0xFFFFFFFF  }
0xad: {  	s28 =	simm.s32 $_size_execute0_lowered;
	s5 =	sadd.s32 s5, s7;
	[dreg:$0x0] =	wrdreg $0x0  }
0xae: {  	s7 =	sshll.u32 s28, $0x1;
	[dreg:$0x2] =	wrdreg s5  }
0xaf: {  	[dreg:$0x3] =	wrdreg s7  }
0xb0: {  	[dreg:$0x4] =	wrdreg $0xC0  }
0xb1: {  	_ =	task [dreg:s9], $0x5FFFF  }
0xb2: {  	[dreg:$0x1] =	wrdreg $0xFFFFFFFF  }
0xb3: {  	[dreg:$0x0] =	wrdreg $0x60  }
0xb4: {  	[dreg:$0x2] =	wrdreg s15  }
0xb5: {  	[dreg:$0x3] =	wrdreg s17  }
0xb6: {  	[dreg:$0x4] =	wrdreg s24  }
0xb7: {  	[dreg:$0x5] =	wrdreg s16  }
0xb8: {  	[dreg:$0x6] =	wrdreg $0x9  }
0xb9: {  	_ =	task.clear_ibuf [dreg:s9], $0x7FFFF;
	_ =	strace $0x90000046  }
0xba: {  	s29 =	simm.s32 $0x9;
	_ =	strace $0x80000048  }
0xbb: {  	_ =	swait.ge [sflag:s29], $0x1  }
0xbc: {  	[sflag:s29] =	ssyncadd.s32 $0xFFFFFFFF  }
0xbd: {  	_ =	strace $0x90000048  }
0xbe: {  	_ =	sfence  }
0xbf: {  	s30 =	sld [smem:$0x0];
	_ =	sdelay $0x2  }
0xc0: {  	s31 =	sshll.u32 s1, $0xD;
	s1 =	sshrl.u32 s1, $0x2  }
0xc1: {  	s3 =	sand.u32 $0x4000, s31;
	s1 =	sadd.s32 s1, s30  }
0xc2: {  	s0 =	sor.u32 s3, s0;
	s1 =	sshll.u32 s1, $0x11  }
0xc3: {  	s0 =	sor.u32 s1, s0  }
0xc4: {  	s0 =	sadd.s32 $0x8F2B, s0  }
0xc5: {  	[sflag:s0] =	ssyncadd.remote.s32 $0x1  }
0xc6: {  	_ =	sfence.sel $0xFFFF  }
0xc7: {  	[dreg:$0x0] =	wrdreg $0xFFFFFFFF;
	(pc) =	sbr.abs _section_cstart, $3  }
0xc8: {  	[dreg:$0x1] =	wrdreg $0xFFFFFFFF  }
0xc9: {  	_ =	task.clear_ibuf [dreg:s9], $0x2FFFF;
	_ =	strace $0x9FFFFFFF  }
0xca: {  	(tm) =	ssettm $0x7FFFFFFF  }
0xcb: {  	_ =	shalt  }
tec
execute0_lowered:
.L_overlay_start_1:
0x0: {  	(tag) =	ssettag $0x1  }
0x1: {  	s1 =	rddreg [dreg:$0x0]  }
0x2: {  	s0 =	rddreg [dreg:$0x1]  }
0x3: {  	s2 =	rddreg [dreg:$0x2];
	s4 =	srdreg.scid  }
0x4: {  	s6 =	stileid.u32;
	s3 =	rddreg [dreg:$0x3];
	s28 =	simm.s32 $0xD400  }
0x5: {  	s29 =	simm.s32 $0xDC00;
	s30 =	simm.s32 $0xE400;
	s31 =	simm.s32 $0xEC00  }
0x6: {  	s11 =	simm.s32 $0x12400;
	s12 =	simm.s32 $0x12C00;
	s13 =	simm.s32 $0x13400  }
0x7: {  	s14 =	simm.s32 $0x13C00;
	s15 =	simm.s32 $0x14400;
	s16 =	simm.s32 $0x14C00  }
0x8: {  	s17 =	simm.s32 $0x15400;
	s18 =	simm.s32 $0x15C00;
	s19 =	simm.s32 $0x2800  }
0x9: {  	s5 =	sand.u32 $0x1, s4;
	s21 =	sshll.u32 s6, $0x1;
	s6 =	sshrl.u32 s6, $0x2  }
0xa: {  	s4 =	simm.s32 $0x0;
	s7 =	sor.u32 s5, s21;
	s6 =	smul.u32 $0x14000, s6  }
0xb: {  	[smem:$0x7FF] =	sst s4;
	s5 =	ssub.s32 $0x2, s5;
	s21 =	simm.s32 $0x5  }
0xc: {  	s8 =	sshll.u32 s7, $0x7;
	s9 =	smul.u32 $0x280, s7;
	s22 =	sshrl.u32 s5, $0x1  }
0xd: {  	_ =	strace $0x80000047;
	s8 =	sand.u32 $0x380, s8;
	s5 =	ssub.s32 s5, s22  }
0xe: {  	s22 =	simm.s32 $0x0;
	s6 =	sor.u32 s6, s8;
	s8 =	smul.u32 $0xFFFFFFD8, s7  }
0xf: {  	s10 =	sadd.s32 s9, s2;
	s0 =	sadd.s32 s0, s9;
	s26 =	smax.u32 s5, $0x1  }
0x10: {  	s5 =	simm.s32 $0x10400;
	s9 =	simm.s32 $0x11400;
	s6 =	sshrl.u32 s6, $0x3  }
0x11: {  	[dreg:$0x5] =	wrdreg s0;
	s23 =	sadd.s32 $0xC00, s10;
	s24 =	sadd.s32 $0xFC00, s10  }
.Ltmp0:
0x12: {  	[dreg:$0x9] =	wrdreg s26;
	s0 =	simm.s32 $0xFC00;
	(pc) =	sbr.rel .LBB2_1-.Ltmp0, $4  }
0x13: {  	s10 =	simm.s32 $0x11C00;
	p0 =	slt.s32 s8, $0xFFFFFB46;
	[dreg:$0x6] =	wrdreg s23  }
0x14: {  	v2 =	vlaneseq.u32;
	s2 =	sadd.s32 s6, s2;
	[dreg:$0x7] =	wrdreg s24;
	s8 =	simm.s32 @!p0 $0xFFFFFB46  }
0x15: {  	vm0 =	vmmov $0xffff;
	v3 =	vimm.s32 $0x0;
	v1 =	vshrl.u32 v2, $0x3;
	s25 =	sadd.s32 $0x5C00, s2;
	s2 =	simm.s32 $0xF400;
	s6 =	sadd.s32 $0x4E2, s8  }
0x16: {  	v0 =	vand.u32 $0x7, v2;
	v2 =	vor.u32 $0x8, v2;
	v1 =	vmul.u32 $0x8, v1;
	s8 =	smul.u32 $0x140000, s7;
	[dreg:$0x8] =	wrdreg s25;
	s7 =	simm.s32 $0x10C00  }
.LBB2_11:
0x17: {  	s20 =	rddreg [dreg:$0x7];
	s21 =	simm.s32 $0x5000  }
0x18: {  	[hbm4b:s20+s4] =	stream.linear.scatter [tilespmem:s21], [sflag:$0x5], $0x1400, $0x38;
	[tilespmem:$0x16400] =	vst v63  }
0x19: {  	s21 =	simm.s32 $0x5  }
0x1a: {  	_ =	swait.ge [sflag:s21], $0x1400  }
0x1b: {  	s22 =	simm.s32 $0x80;
	[sflag:s21] =	ssyncset.done $0x0  }
0x1c: {  	s23 =	simm.s32 $0x400;
	s24 =	rddreg [dreg:$0x8];
	[sflag:s21] =	ssyncadd.s32 $0xFFFFEC00  }
0x1d: {  	[hbm4b:s24+s22] =	stream.strided.scatter [tilespmem:s19], [sflag:$0x5], $0x2800, s23, s22, $0x38;
	[tilespmem:$0x16400] =	vst v63  }
0x1e: {  	_ =	swait.ge [sflag:s21], $0x2800  }
0x1f: {  	s25 =	rddreg [dreg:$0xa]  }
0x20: {  	s26 =	rddreg [dreg:$0x9];
	s22 =	sadd.s32 $0x1, s25  }
0x21: {  	p0 =	sne.s32 s22, s26  }
.Ltmp1:
0x22: {  	_ = 	snop;
	(pc) =	sbr.rel @!p0 .LBB2_12-.Ltmp1, $3  }
0x23: {  	_ =	sdelay $0x1  }
0x24: {  	[sflag:s21] =	ssyncset.done $0x0  }
0x25: {  	[sflag:s21] =	ssyncadd.s32 $0xFFFFD800  }
.LBB2_1:
0x26: {  	[dreg:$0xa] =	wrdreg s22  }
0x27: {  	s20 =	rddreg [dreg:$0x5]  }
0x28: {  	[tilespmem:s4], [sflag:$0x5] =	stream.linear.gather [hbm4b:s20+s4], $0x1400, $0x38;
	[tilespmem:$0x16400] =	vst v63  }
0x29: {  	_ =	swait.ge [sflag:s21], $0x1400  }
0x2a: {  	[sflag:s21] =	ssyncset.done $0x0  }
0x2b: {  	[sflag:s21] =	ssyncadd.s32 $0xFFFFEC00  }
0x2c: {  	v4 =	vld [tilespmem:$0x0];
	_ =	sdelay $0x4  }
0x2d: {  	v5 =	vshll.u32 v4, $0x1  }
0x2e: {  	v4 =	vand.u32 $0x7, v4;
	v5 =	vand.u32 $0xFFFFFFF0, v5  }
0x2f: {  	v4 =	vor.u32 v4, v5  }
0x30: {  	v5 =	vperm.xlane v4, v0;
	_ =	sdelay $0x1  }
0x31: {  	v4 =	vperm.xlane v4, v2;
	v5 =	vadd.s32 v1, v5;
	_ =	sdelay $0x1  }
0x32: {  	v4 =	vadd.s32 v1, v4;
	_ =	sdelay $0x1  }
0x33: {  	s26 =	simm.s32 $0x6400  }
0x34: {  	[tilespmem:s26], [sflag:$0x1] =	stream.indirect_vreg.gather [hbm4b:s1+s4], $0x80, v5, vm0, $0xb8;
	[tilespmem:$0x16400] =	vst v63  }
0x35: {  	s22 =	simm.s32 $0x6C00  }
0x36: {  	[tilespmem:s22], [sflag:$0x1] =	stream.indirect_vreg.gather [hbm4b:s1+s4], $0x80, v4, vm0, $0xb8;
	[tilespmem:$0x16400] =	vst v63  }
0x37: {  	v4 =	vld [tilespmem:$0x10];
	_ =	sdelay $0x4  }
0x38: {  	v5 =	vshll.u32 v4, $0x1  }
0x39: {  	v4 =	vand.u32 $0x7, v4;
	v5 =	vand.u32 $0xFFFFFFF0, v5  }
0x3a: {  	v4 =	vor.u32 v4, v5  }
0x3b: {  	v5 =	vperm.xlane v4, v0;
	_ =	sdelay $0x1  }
0x3c: {  	v4 =	vperm.xlane v4, v2;
	v5 =	vadd.s32 v1, v5;
	_ =	sdelay $0x1  }
0x3d: {  	v4 =	vadd.s32 v1, v4;
	_ =	sdelay $0x1  }
0x3e: {  	s23 =	simm.s32 $0x7400  }
0x3f: {  	[tilespmem:s23], [sflag:$0x1] =	stream.indirect_vreg.gather [hbm4b:s1+s4], $0x80, v5, vm0, $0xb8;
	[tilespmem:$0x16400] =	vst v63  }
0x40: {  	s24 =	simm.s32 $0x7C00  }
0x41: {  	[tilespmem:s24], [sflag:$0x1] =	stream.indirect_vreg.gather [hbm4b:s1+s4], $0x80, v4, vm0, $0xb8;
	[tilespmem:$0x16400] =	vst v63  }
0x42: {  	v4 =	vld [tilespmem:$0x20];
	_ =	sdelay $0x4  }
0x43: {  	v5 =	vshll.u32 v4, $0x1  }
0x44: {  	v4 =	vand.u32 $0x7, v4;
	v5 =	vand.u32 $0xFFFFFFF0, v5  }
0x45: {  	v4 =	vor.u32 v4, v5  }
0x46: {  	v5 =	vperm.xlane v4, v0;
	_ =	sdelay $0x1  }
0x47: {  	v4 =	vperm.xlane v4, v2;
	v5 =	vadd.s32 v1, v5;
	_ =	sdelay $0x1  }
0x48: {  	v4 =	vadd.s32 v1, v4;
	_ =	sdelay $0x1  }
0x49: {  	s25 =	simm.s32 $0x8400  }
0x4a: {  	[tilespmem:s25], [sflag:$0x1] =	stream.indirect_vreg.gather [hbm4b:s1+s4], $0x80, v5, vm0, $0xb8;
	[tilespmem:$0x16400] =	vst v63  }
0x4b: {  	s26 =	simm.s32 $0x8C00  }
0x4c: {  	[tilespmem:s26], [sflag:$0x1] =	stream.indirect_vreg.gather [hbm4b:s1+s4], $0x80, v4, vm0, $0xb8;
	[tilespmem:$0x16400] =	vst v63  }
0x4d: {  	v4 =	vld [tilespmem:$0x30];
	_ =	sdelay $0x4  }
0x4e: {  	v5 =	vshll.u32 v4, $0x1  }
0x4f: {  	v4 =	vand.u32 $0x7, v4;
	v5 =	vand.u32 $0xFFFFFFF0, v5  }
0x50: {  	v4 =	vor.u32 v4, v5  }
0x51: {  	v5 =	vperm.xlane v4, v0;
	_ =	sdelay $0x1  }
0x52: {  	v4 =	vperm.xlane v4, v2;
	v5 =	vadd.s32 v1, v5;
	_ =	sdelay $0x1  }
0x53: {  	v4 =	vadd.s32 v1, v4;
	_ =	sdelay $0x1  }
0x54: {  	s22 =	simm.s32 $0x9400  }
0x55: {  	[tilespmem:s22], [sflag:$0x1] =	stream.indirect_vreg.gather [hbm4b:s1+s4], $0x80, v5, vm0, $0xb8;
	[tilespmem:$0x16400] =	vst v63  }
0x56: {  	s23 =	simm.s32 $0x9C00  }
0x57: {  	[tilespmem:s23], [sflag:$0x1] =	stream.indirect_vreg.gather [hbm4b:s1+s4], $0x80, v4, vm0, $0xb8;
	[tilespmem:$0x16400] =	vst v63  }
0x58: {  	v4 =	vld [tilespmem:$0x40];
	_ =	sdelay $0x4  }
0x59: {  	v5 =	vshll.u32 v4, $0x1  }
0x5a: {  	v4 =	vand.u32 $0x7, v4;
	v5 =	vand.u32 $0xFFFFFFF0, v5  }
0x5b: {  	v4 =	vor.u32 v4, v5  }
0x5c: {  	v5 =	vperm.xlane v4, v0;
	_ =	sdelay $0x1  }
0x5d: {  	v4 =	vperm.xlane v4, v2;
	v5 =	vadd.s32 v1, v5;
	_ =	sdelay $0x1  }
0x5e: {  	v4 =	vadd.s32 v1, v4;
	_ =	sdelay $0x1  }
0x5f: {  	s24 =	simm.s32 $0xA400  }
0x60: {  	[tilespmem:s24], [sflag:$0x1] =	stream.indirect_vreg.gather [hbm4b:s1+s4], $0x80, v5, vm0, $0xb8;
	[tilespmem:$0x16400] =	vst v63  }
0x61: {  	s25 =	simm.s32 $0xAC00  }
0x62: {  	[tilespmem:s25], [sflag:$0x1] =	stream.indirect_vreg.gather [hbm4b:s1+s4], $0x80, v4, vm0, $0xb8;
	[tilespmem:$0x16400] =	vst v63  }
0x63: {  	v4 =	vld [tilespmem:$0x50];
	_ =	sdelay $0x4  }
0x64: {  	v5 =	vshll.u32 v4, $0x1  }
0x65: {  	v4 =	vand.u32 $0x7, v4;
	v5 =	vand.u32 $0xFFFFFFF0, v5  }
0x66: {  	v4 =	vor.u32 v4, v5  }
0x67: {  	v5 =	vperm.xlane v4, v0;
	_ =	sdelay $0x1  }
0x68: {  	v4 =	vperm.xlane v4, v2;
	v5 =	vadd.s32 v1, v5;
	_ =	sdelay $0x1  }
0x69: {  	v4 =	vadd.s32 v1, v4;
	_ =	sdelay $0x1  }
0x6a: {  	s26 =	simm.s32 $0xB400  }
0x6b: {  	[tilespmem:s26], [sflag:$0x1] =	stream.indirect_vreg.gather [hbm4b:s1+s4], $0x80, v5, vm0, $0xb8;
	[tilespmem:$0x16400] =	vst v63  }
0x6c: {  	s22 =	simm.s32 $0xBC00  }
0x6d: {  	[tilespmem:s22], [sflag:$0x1] =	stream.indirect_vreg.gather [hbm4b:s1+s4], $0x80, v4, vm0, $0xb8;
	[tilespmem:$0x16400] =	vst v63  }
0x6e: {  	v4 =	vld [tilespmem:$0x60];
	_ =	sdelay $0x4  }
0x6f: {  	v5 =	vshll.u32 v4, $0x1  }
0x70: {  	v4 =	vand.u32 $0x7, v4;
	v5 =	vand.u32 $0xFFFFFFF0, v5  }
0x71: {  	v4 =	vor.u32 v4, v5  }
0x72: {  	v5 =	vperm.xlane v4, v0;
	_ =	sdelay $0x1  }
0x73: {  	v4 =	vperm.xlane v4, v2;
	v5 =	vadd.s32 v1, v5;
	_ =	sdelay $0x1  }
0x74: {  	v4 =	vadd.s32 v1, v4;
	_ =	sdelay $0x1  }
0x75: {  	s23 =	simm.s32 $0xC400  }
0x76: {  	[tilespmem:s23], [sflag:$0x1] =	stream.indirect_vreg.gather [hbm4b:s1+s4], $0x80, v5, vm0, $0xb8;
	[tilespmem:$0x16400] =	vst v63  }
0x77: {  	s24 =	simm.s32 $0xCC00  }
0x78: {  	[tilespmem:s24], [sflag:$0x1] =	stream.indirect_vreg.gather [hbm4b:s1+s4], $0x80, v4, vm0, $0xb8;
	[tilespmem:$0x16400] =	vst v63  }
0x79: {  	v4 =	vld [tilespmem:$0x70];
	_ =	sdelay $0x4  }
0x7a: {  	v5 =	vshll.u32 v4, $0x1  }
0x7b: {  	v4 =	vand.u32 $0x7, v4;
	v5 =	vand.u32 $0xFFFFFFF0, v5  }
0x7c: {  	v4 =	vor.u32 v4, v5  }
0x7d: {  	v5 =	vperm.xlane v4, v0;
	_ =	sdelay $0x1  }
0x7e: {  	v4 =	vperm.xlane v4, v2;
	v5 =	vadd.s32 v1, v5;
	_ =	sdelay $0x1  }
0x7f: {  	v4 =	vadd.s32 v1, v4;
	_ =	sdelay $0x2  }
0x80: {  	[tilespmem:s28], [sflag:$0x1] =	stream.indirect_vreg.gather [hbm4b:s1+s4], $0x80, v5, vm0, $0xb8;
	[tilespmem:$0x16400] =	vst v63  }
0x81: {  	_ = 	snop  }
0x82: {  	[tilespmem:s29], [sflag:$0x1] =	stream.indirect_vreg.gather [hbm4b:s1+s4], $0x80, v4, vm0, $0xb8;
	[tilespmem:$0x16400] =	vst v63  }
0x83: {  	v4 =	vld [tilespmem:$0x80];
	_ =	sdelay $0x4  }
0x84: {  	v5 =	vshll.u32 v4, $0x1  }
0x85: {  	v4 =	vand.u32 $0x7, v4;
	v5 =	vand.u32 $0xFFFFFFF0, v5  }
0x86: {  	v4 =	vor.u32 v4, v5  }
0x87: {  	v5 =	vperm.xlane v4, v0;
	_ =	sdelay $0x1  }
0x88: {  	v4 =	vperm.xlane v4, v2;
	v5 =	vadd.s32 v1, v5;
	_ =	sdelay $0x1  }
0x89: {  	v4 =	vadd.s32 v1, v4;
	_ =	sdelay $0x2  }
0x8a: {  	[tilespmem:s30], [sflag:$0x2] =	stream.indirect_vreg.gather [hbm4b:s1+s4], $0x80, v5, vm0, $0xb8;
	[tilespmem:$0x16400] =	vst v63  }
0x8b: {  	_ = 	snop  }
0x8c: {  	[tilespmem:s31], [sflag:$0x2] =	stream.indirect_vreg.gather [hbm4b:s1+s4], $0x80, v4, vm0, $0xb8;
	[tilespmem:$0x16400] =	vst v63  }
0x8d: {  	v4 =	vld [tilespmem:$0x90];
	_ =	sdelay $0x4  }
0x8e: {  	v5 =	vshll.u32 v4, $0x1  }
0x8f: {  	v4 =	vand.u32 $0x7, v4;
	v5 =	vand.u32 $0xFFFFFFF0, v5  }
0x90: {  	v4 =	vor.u32 v4, v5  }
0x91: {  	v5 =	vperm.xlane v4, v0;
	_ =	sdelay $0x1  }
0x92: {  	v4 =	vperm.xlane v4, v2;
	v5 =	vadd.s32 v1, v5;
	_ =	sdelay $0x1  }
0x93: {  	v4 =	vadd.s32 v1, v4;
	_ =	sdelay $0x2  }
0x94: {  	[tilespmem:s2], [sflag:$0x2] =	stream.indirect_vreg.gather [hbm4b:s1+s4], $0x80, v5, vm0, $0xb8;
	[tilespmem:$0x16400] =	vst v63  }
0x95: {  	_ = 	snop  }
0x96: {  	[tilespmem:s0], [sflag:$0x2] =	stream.indirect_vreg.gather [hbm4b:s1+s4], $0x80, v4, vm0, $0xb8;
	[tilespmem:$0x16400] =	vst v63  }
0x97: {  	v4 =	vld [tilespmem:$0xA0];
	_ =	sdelay $0x4  }
0x98: {  	v5 =	vshll.u32 v4, $0x1  }
0x99: {  	v4 =	vand.u32 $0x7, v4;
	v5 =	vand.u32 $0xFFFFFFF0, v5  }
0x9a: {  	v4 =	vor.u32 v4, v5  }
0x9b: {  	v5 =	vperm.xlane v4, v0;
	_ =	sdelay $0x1  }
0x9c: {  	v4 =	vperm.xlane v4, v2;
	v5 =	vadd.s32 v1, v5;
	_ =	sdelay $0x1  }
0x9d: {  	v4 =	vadd.s32 v1, v4;
	_ =	sdelay $0x2  }
0x9e: {  	[tilespmem:s5], [sflag:$0x2] =	stream.indirect_vreg.gather [hbm4b:s1+s4], $0x80, v5, vm0, $0xb8;
	[tilespmem:$0x16400] =	vst v63  }
0x9f: {  	_ = 	snop  }
0xa0: {  	[tilespmem:s7], [sflag:$0x2] =	stream.indirect_vreg.gather [hbm4b:s1+s4], $0x80, v4, vm0, $0xb8;
	[tilespmem:$0x16400] =	vst v63  }
0xa1: {  	v4 =	vld [tilespmem:$0xB0];
	_ =	sdelay $0x4  }
0xa2: {  	v5 =	vshll.u32 v4, $0x1  }
0xa3: {  	v4 =	vand.u32 $0x7, v4;
	v5 =	vand.u32 $0xFFFFFFF0, v5  }
0xa4: {  	v4 =	vor.u32 v4, v5  }
0xa5: {  	v5 =	vperm.xlane v4, v0;
	_ =	sdelay $0x1  }
0xa6: {  	v4 =	vperm.xlane v4, v2;
	v5 =	vadd.s32 v1, v5;
	_ =	sdelay $0x1  }
0xa7: {  	v4 =	vadd.s32 v1, v4;
	_ =	sdelay $0x2  }
0xa8: {  	[tilespmem:s9], [sflag:$0x2] =	stream.indirect_vreg.gather [hbm4b:s1+s4], $0x80, v5, vm0, $0xb8;
	[tilespmem:$0x16400] =	vst v63  }
0xa9: {  	_ = 	snop  }
0xaa: {  	[tilespmem:s10], [sflag:$0x2] =	stream.indirect_vreg.gather [hbm4b:s1+s4], $0x80, v4, vm0, $0xb8;
	[tilespmem:$0x16400] =	vst v63  }
0xab: {  	v4 =	vld [tilespmem:$0xC0];
	_ =	sdelay $0x4  }
0xac: {  	v5 =	vshll.u32 v4, $0x1  }
0xad: {  	v4 =	vand.u32 $0x7, v4;
	v5 =	vand.u32 $0xFFFFFFF0, v5  }
0xae: {  	v4 =	vor.u32 v4, v5  }
0xaf: {  	v5 =	vperm.xlane v4, v0;
	_ =	sdelay $0x1  }
0xb0: {  	v4 =	vperm.xlane v4, v2;
	v5 =	vadd.s32 v1, v5;
	_ =	sdelay $0x1  }
0xb1: {  	v4 =	vadd.s32 v1, v4;
	_ =	sdelay $0x2  }
0xb2: {  	[tilespmem:s11], [sflag:$0x2] =	stream.indirect_vreg.gather [hbm4b:s1+s4], $0x80, v5, vm0, $0xb8;
	[tilespmem:$0x16400] =	vst v63  }
0xb3: {  	_ = 	snop  }
0xb4: {  	[tilespmem:s12], [sflag:$0x2] =	stream.indirect_vreg.gather [hbm4b:s1+s4], $0x80, v4, vm0, $0xb8;
	[tilespmem:$0x16400] =	vst v63  }
0xb5: {  	v4 =	vld [tilespmem:$0xD0];
	_ =	sdelay $0x4  }
0xb6: {  	v5 =	vshll.u32 v4, $0x1  }
0xb7: {  	v4 =	vand.u32 $0x7, v4;
	v5 =	vand.u32 $0xFFFFFFF0, v5  }
0xb8: {  	v4 =	vor.u32 v4, v5  }
0xb9: {  	v5 =	vperm.xlane v4, v0;
	_ =	sdelay $0x1  }
0xba: {  	v4 =	vperm.xlane v4, v2;
	v5 =	vadd.s32 v1, v5;
	_ =	sdelay $0x1  }
0xbb: {  	v4 =	vadd.s32 v1, v4;
	_ =	sdelay $0x2  }
0xbc: {  	[tilespmem:s13], [sflag:$0x2] =	stream.indirect_vreg.gather [hbm4b:s1+s4], $0x80, v5, vm0, $0xb8;
	[tilespmem:$0x16400] =	vst v63  }
0xbd: {  	_ = 	snop  }
0xbe: {  	[tilespmem:s14], [sflag:$0x2] =	stream.indirect_vreg.gather [hbm4b:s1+s4], $0x80, v4, vm0, $0xb8;
	[tilespmem:$0x16400] =	vst v63  }
0xbf: {  	v4 =	vld [tilespmem:$0xE0];
	_ =	sdelay $0x4  }
0xc0: {  	v5 =	vshll.u32 v4, $0x1  }
0xc1: {  	v4 =	vand.u32 $0x7, v4;
	v5 =	vand.u32 $0xFFFFFFF0, v5  }
0xc2: {  	v4 =	vor.u32 v4, v5  }
0xc3: {  	v5 =	vperm.xlane v4, v0;
	_ =	sdelay $0x1  }
0xc4: {  	v4 =	vperm.xlane v4, v2;
	v5 =	vadd.s32 v1, v5;
	_ =	sdelay $0x1  }
0xc5: {  	v4 =	vadd.s32 v1, v4;
	_ =	sdelay $0x2  }
0xc6: {  	[tilespmem:s15], [sflag:$0x2] =	stream.indirect_vreg.gather [hbm4b:s1+s4], $0x80, v5, vm0, $0xb8;
	[tilespmem:$0x16400] =	vst v63  }
0xc7: {  	_ = 	snop  }
0xc8: {  	[tilespmem:s16], [sflag:$0x2] =	stream.indirect_vreg.gather [hbm4b:s1+s4], $0x80, v4, vm0, $0xb8;
	[tilespmem:$0x16400] =	vst v63  }
0xc9: {  	v4 =	vld [tilespmem:$0xF0];
	_ =	sdelay $0x4  }
0xca: {  	v5 =	vshll.u32 v4, $0x1  }
0xcb: {  	v4 =	vand.u32 $0x7, v4;
	v5 =	vand.u32 $0xFFFFFFF0, v5  }
0xcc: {  	v4 =	vor.u32 v4, v5  }
0xcd: {  	v5 =	vperm.xlane v4, v0;
	_ =	sdelay $0x1  }
0xce: {  	v4 =	vperm.xlane v4, v2;
	v5 =	vadd.s32 v1, v5;
	_ =	sdelay $0x1  }
0xcf: {  	v4 =	vadd.s32 v1, v4;
	_ =	sdelay $0x2  }
0xd0: {  	[tilespmem:s17], [sflag:$0x2] =	stream.indirect_vreg.gather [hbm4b:s1+s4], $0x80, v5, vm0, $0xb8;
	[tilespmem:$0x16400] =	vst v63  }
0xd1: {  	_ = 	snop  }
0xd2: {  	[tilespmem:s18], [sflag:$0x2] =	stream.indirect_vreg.gather [hbm4b:s1+s4], $0x80, v4, vm0, $0xb8;
	[tilespmem:$0x16400] =	vst v63  }
0xd3: {  	s25 =	rddreg [dreg:$0x6];
	s26 =	simm.s32 $0x1400  }
0xd4: {  	[tilespmem:s26], [sflag:$0x5] =	stream.linear.gather [hbm4b:s25+s4], $0x1400, $0x38;
	[tilespmem:$0x16400] =	vst v63  }
0xd5: {  	_ =	swait.ge [sflag:s21], $0x1400  }
0xd6: {  	[sflag:s21] =	ssyncset.done $0x0  }
0xd7: {  	s20 =	simm.s32 $0x0;
	[sflag:s21] =	ssyncadd.s32 $0xFFFFEC00  }
.LBB2_2:
0xd8: {  	p0 =	sne.s32 s20, $0x9FC0  }
.Ltmp2:
0xd9: {  	_ = 	snop;
	(pc) =	sbr.rel @p0 .LBB2_2-.Ltmp2, $3  }
0xda: {  	_ =	sdelay $0x1  }
0xdb: {  	s21 =	sshra.s32 s20, $0x2  }
0xdc: {  	s20 =	sadd.s32 $0x40, s20;
	[tilespmem:s21+$0x2800] =	vst v3  }
.Ltmp3:
0xdd: {  	(pc) =	sbr.rel .LBB2_4-.Ltmp3, $2  }
0xde: {  	_ =	sdelay $0x2  }
0xdf: {  	s20 =	simm.s32 $0x0;
	s21 =	simm.s32 $0x1400;
	s22 =	simm.s32 $0x5000  }
.LBB2_10:
0xe0: {  	s20 =	sadd.s32 $0x1, s20  }
0xe1: {  	p0 =	sne.s32 s20, $0x14  }
.Ltmp4:
0xe2: {  	_ = 	snop;
	(pc) =	sbr.rel @!p0 .LBB2_11-.Ltmp4, $2  }
0xe3: {  	_ =	sdelay $0x2  }
0xe4: {  	s21 =	sadd.s32 $0x100, s21;
	s22 =	sadd.s32 $0x100, s22  }
.LBB2_4:
0xe5: {  	v5 =	vmov s21;
	_ =	sdelay $0x3  }
0xe6: {  	v4 =	vmov s22;
	s24 =	simm.s32 $0x0;
	s23 =	simm.s32 $0x40  }
.LBB2_5:
0xe7: {  	p0 =	sne.s32 s23, $0x3C0;
	v6 =	vld.idx.msk [tilespmem:v5+s24+$0x0 ss:$0x1], $0xffff;
	_ =	sdelay $0x5  }
0xe8: {  	(xrf1) =	vunique.msk.u32 $0xffff, v6;
	_ =	sdelay $0xa  }
0xe9: {  	v7 =	vld.idx.msk [tilespmem:v6+s19+$0x0], $0xffff;
	_ =	sdelay $0x2  }
0xea: {  	_, v8, vm1 =	vpop (xrf1);
	_ =	sdelay $0x1  }
.Ltmp5:
0xeb: {  	(pc) =	sbr.rel @p0 .LBB2_5-.Ltmp5, $4  }
0xec: {  	v7 =	vadd.s32 v7, v8  }
0xed: {  	v8 =	vadd.s32 $0xFFFFFFFF, v7  }
0xee: {  	[tilespmem:v4+s24+$0x0 ss:$0x1] =	vst.idx.msk $0xffff, v8  }
0xef: {  	s24 =	sshra.s32 s23, $0x2;
	s23 =	sadd.s32 $0x40, s23;
	[tilespmem:v6+s19+$0x0] =	vst.idx.msk vm1, v7  }
0xf0: {  	_ =	sdelay $0x3  }
0xf1: {  	v5 =	vld.idx.msk [tilespmem:v5+s24+$0x0 ss:$0x1], $0xffff;
	_ =	sdelay $0x4  }
0xf2: {  	(xrf1) =	vunique.msk.u32 $0xffff, v5;
	_ =	sdelay $0xb  }
0xf3: {  	v6 =	vld.idx.msk [tilespmem:v5+s19+$0x0], $0xffff;
	_ =	sdelay $0x1  }
0xf4: {  	_, v7, vm1 =	vpop (xrf1);
	_ =	sdelay $0x2  }
0xf5: {  	v6 =	vadd.s32 v6, v7  }
0xf6: {  	s23 =	sshll.u32 s20, $0x1;
	v7 =	vadd.s32 $0xFFFFFFFF, v6  }
0xf7: {  	p0 =	sge.u32 s23, s6;
	[tilespmem:v4+s24+$0x0 ss:$0x1] =	vst.idx.msk $0xffff, v7  }
0xf8: {  	s24 =	simm.s32 @!p0 $0x1;
	[tilespmem:v5+s19+$0x0] =	vst.idx.msk vm1, v6  }
0xf9: {  	s25 =	sshll.u32 @!p0 s20, $0x10;
	_ =	swait.ge @!p0 [sflag:s24], $0x8000  }
0xfa: {  	s25 =	sadd.s32 @!p0 s8, s25;
	[sflag:s24] =	ssyncset.done @!p0 $0x0  }
0xfb: {  	[sflag:s24] =	ssyncadd.s32 @!p0 $0xFFFF8000;
	s24 =	sshrl.u32 @!p0 s25, $0x3  }
0xfc: {  	s26 =	simm.s32 @!p0 $0x6400;
	s25 =	simm.s32 @!p0 $0x0;
	s24 =	sadd.s32 @!p0 s3, s24  }
0xfd: {  	[hbm4b:s24+s25] =	stream.linear.scatter @!p0 [tilespmem:s26], [sflag:$0x3], $0x8000, $0x38;
	[tilespmem:$0x16400] =	vst v63  }
0xfe: {  	s24 =	sadd.s32 @!p0 $0x2, s23  }
0xff: {  	p1 =	sge.u32 @!p0 s24, s6  }
0x100: {  	p1 =	por p0, p1  }
.Ltmp6:
0x101: {  	_ = 	snop;
	(pc) =	sbr.rel @p1 .LBB2_8-.Ltmp6, $4  }
0x102: {  	s25 =	simm.s32 @!p0 $0x3  }
0x103: {  	_ =	swait.ge @!p0 [sflag:s25], $0x8000  }
0x104: {  	[sflag:s25] =	ssyncset.done @!p0 $0x0  }
0x105: {  	[sflag:s25] =	ssyncadd.s32 @!p0 $0xFFFF8000  }
0x106: {  	s24 =	sshll.u32 s24, $0x7  }
0x107: {  	s24 =	sand.u32 $0x3FFFFF80, s24  }
0x108: {  	v4 =	vld [tilespmem:s24+$0x0];
	_ =	sdelay $0x4  }
0x109: {  	v5 =	vshll.u32 v4, $0x1  }
0x10a: {  	v4 =	vand.u32 $0x7, v4;
	v5 =	vand.u32 $0xFFFFFFF0, v5  }
0x10b: {  	v4 =	vor.u32 v4, v5  }
0x10c: {  	v5 =	vperm.xlane v4, v0;
	_ =	sdelay $0x1  }
0x10d: {  	v4 =	vperm.xlane v4, v2;
	v5 =	vadd.s32 v1, v5;
	_ =	sdelay $0x1  }
0x10e: {  	v4 =	vadd.s32 v1, v4;
	_ =	sdelay $0x1  }
0x10f: {  	s25 =	simm.s32 $0x6400  }
0x110: {  	[tilespmem:s25], [sflag:$0x1] =	stream.indirect_vreg.gather [hbm4b:s1+s4], $0x80, v5, vm0, $0xb8;
	[tilespmem:$0x16400] =	vst v63  }
0x111: {  	s26 =	simm.s32 $0x6C00  }
0x112: {  	[tilespmem:s26], [sflag:$0x1] =	stream.indirect_vreg.gather [hbm4b:s1+s4], $0x80, v4, vm0, $0xb8;
	[tilespmem:$0x16400] =	vst v63  }
0x113: {  	v4 =	vld [tilespmem:s24+$0x10];
	_ =	sdelay $0x4  }
0x114: {  	v5 =	vshll.u32 v4, $0x1  }
0x115: {  	v4 =	vand.u32 $0x7, v4;
	v5 =	vand.u32 $0xFFFFFFF0, v5  }
0x116: {  	v4 =	vor.u32 v4, v5  }
0x117: {  	v5 =	vperm.xlane v4, v0;
	_ =	sdelay $0x1  }
0x118: {  	v4 =	vperm.xlane v4, v2;
	v5 =	vadd.s32 v1, v5;
	_ =	sdelay $0x1  }
0x119: {  	v4 =	vadd.s32 v1, v4;
	_ =	sdelay $0x1  }
0x11a: {  	s26 =	simm.s32 $0x7400  }
0x11b: {  	[tilespmem:s26], [sflag:$0x1] =	stream.indirect_vreg.gather [hbm4b:s1+s4], $0x80, v5, vm0, $0xb8;
	[tilespmem:$0x16400] =	vst v63  }
0x11c: {  	s26 =	simm.s32 $0x7C00  }
0x11d: {  	[tilespmem:s26], [sflag:$0x1] =	stream.indirect_vreg.gather [hbm4b:s1+s4], $0x80, v4, vm0, $0xb8;
	[tilespmem:$0x16400] =	vst v63  }
0x11e: {  	v4 =	vld [tilespmem:s24+$0x20];
	_ =	sdelay $0x4  }
0x11f: {  	v5 =	vshll.u32 v4, $0x1  }
0x120: {  	v4 =	vand.u32 $0x7, v4;
	v5 =	vand.u32 $0xFFFFFFF0, v5  }
0x121: {  	v4 =	vor.u32 v4, v5  }
0x122: {  	v5 =	vperm.xlane v4, v0;
	_ =	sdelay $0x1  }
0x123: {  	v4 =	vperm.xlane v4, v2;
	v5 =	vadd.s32 v1, v5;
	_ =	sdelay $0x1  }
0x124: {  	v4 =	vadd.s32 v1, v4;
	_ =	sdelay $0x1  }
0x125: {  	s26 =	simm.s32 $0x8400  }
0x126: {  	[tilespmem:s26], [sflag:$0x1] =	stream.indirect_vreg.gather [hbm4b:s1+s4], $0x80, v5, vm0, $0xb8;
	[tilespmem:$0x16400] =	vst v63  }
0x127: {  	s26 =	simm.s32 $0x8C00  }
0x128: {  	[tilespmem:s26], [sflag:$0x1] =	stream.indirect_vreg.gather [hbm4b:s1+s4], $0x80, v4, vm0, $0xb8;
	[tilespmem:$0x16400] =	vst v63  }
0x129: {  	v4 =	vld [tilespmem:s24+$0x30];
	_ =	sdelay $0x4  }
0x12a: {  	v5 =	vshll.u32 v4, $0x1  }
0x12b: {  	v4 =	vand.u32 $0x7, v4;
	v5 =	vand.u32 $0xFFFFFFF0, v5  }
0x12c: {  	v4 =	vor.u32 v4, v5  }
0x12d: {  	v5 =	vperm.xlane v4, v0;
	_ =	sdelay $0x1  }
0x12e: {  	v4 =	vperm.xlane v4, v2;
	v5 =	vadd.s32 v1, v5;
	_ =	sdelay $0x1  }
0x12f: {  	v4 =	vadd.s32 v1, v4;
	_ =	sdelay $0x1  }
0x130: {  	s26 =	simm.s32 $0x9400  }
0x131: {  	[tilespmem:s26], [sflag:$0x1] =	stream.indirect_vreg.gather [hbm4b:s1+s4], $0x80, v5, vm0, $0xb8;
	[tilespmem:$0x16400] =	vst v63  }
0x132: {  	s26 =	simm.s32 $0x9C00  }
0x133: {  	[tilespmem:s26], [sflag:$0x1] =	stream.indirect_vreg.gather [hbm4b:s1+s4], $0x80, v4, vm0, $0xb8;
	[tilespmem:$0x16400] =	vst v63  }
0x134: {  	v4 =	vld [tilespmem:s24+$0x40];
	_ =	sdelay $0x4  }
0x135: {  	v5 =	vshll.u32 v4, $0x1  }
0x136: {  	v4 =	vand.u32 $0x7, v4;
	v5 =	vand.u32 $0xFFFFFFF0, v5  }
0x137: {  	v4 =	vor.u32 v4, v5  }
0x138: {  	v5 =	vperm.xlane v4, v0;
	_ =	sdelay $0x1  }
0x139: {  	v4 =	vperm.xlane v4, v2;
	v5 =	vadd.s32 v1, v5;
	_ =	sdelay $0x1  }
0x13a: {  	v4 =	vadd.s32 v1, v4;
	_ =	sdelay $0x1  }
0x13b: {  	s26 =	simm.s32 $0xA400  }
0x13c: {  	[tilespmem:s26], [sflag:$0x1] =	stream.indirect_vreg.gather [hbm4b:s1+s4], $0x80, v5, vm0, $0xb8;
	[tilespmem:$0x16400] =	vst v63  }
0x13d: {  	s26 =	simm.s32 $0xAC00  }
0x13e: {  	[tilespmem:s26], [sflag:$0x1] =	stream.indirect_vreg.gather [hbm4b:s1+s4], $0x80, v4, vm0, $0xb8;
	[tilespmem:$0x16400] =	vst v63  }
0x13f: {  	v4 =	vld [tilespmem:s24+$0x50];
	_ =	sdelay $0x4  }
0x140: {  	v5 =	vshll.u32 v4, $0x1  }
0x141: {  	v4 =	vand.u32 $0x7, v4;
	v5 =	vand.u32 $0xFFFFFFF0, v5  }
0x142: {  	v4 =	vor.u32 v4, v5  }
0x143: {  	v5 =	vperm.xlane v4, v0;
	_ =	sdelay $0x1  }
0x144: {  	v4 =	vperm.xlane v4, v2;
	v5 =	vadd.s32 v1, v5;
	_ =	sdelay $0x1  }
0x145: {  	v4 =	vadd.s32 v1, v4;
	_ =	sdelay $0x1  }
0x146: {  	s26 =	simm.s32 $0xB400  }
0x147: {  	[tilespmem:s26], [sflag:$0x1] =	stream.indirect_vreg.gather [hbm4b:s1+s4], $0x80, v5, vm0, $0xb8;
	[tilespmem:$0x16400] =	vst v63  }
0x148: {  	s26 =	simm.s32 $0xBC00  }
0x149: {  	[tilespmem:s26], [sflag:$0x1] =	stream.indirect_vreg.gather [hbm4b:s1+s4], $0x80, v4, vm0, $0xb8;
	[tilespmem:$0x16400] =	vst v63  }
0x14a: {  	v4 =	vld [tilespmem:s24+$0x60];
	_ =	sdelay $0x4  }
0x14b: {  	v5 =	vshll.u32 v4, $0x1  }
0x14c: {  	v4 =	vand.u32 $0x7, v4;
	v5 =	vand.u32 $0xFFFFFFF0, v5  }
0x14d: {  	v4 =	vor.u32 v4, v5  }
0x14e: {  	v5 =	vperm.xlane v4, v0;
	_ =	sdelay $0x1  }
0x14f: {  	v4 =	vperm.xlane v4, v2;
	v5 =	vadd.s32 v1, v5;
	_ =	sdelay $0x1  }
0x150: {  	v4 =	vadd.s32 v1, v4;
	_ =	sdelay $0x1  }
0x151: {  	s26 =	simm.s32 $0xC400  }
0x152: {  	[tilespmem:s26], [sflag:$0x1] =	stream.indirect_vreg.gather [hbm4b:s1+s4], $0x80, v5, vm0, $0xb8;
	[tilespmem:$0x16400] =	vst v63  }
0x153: {  	s26 =	simm.s32 $0xCC00  }
0x154: {  	[tilespmem:s26], [sflag:$0x1] =	stream.indirect_vreg.gather [hbm4b:s1+s4], $0x80, v4, vm0, $0xb8;
	[tilespmem:$0x16400] =	vst v63  }
0x155: {  	v4 =	vld [tilespmem:s24+$0x70];
	_ =	sdelay $0x4  }
0x156: {  	v5 =	vshll.u32 v4, $0x1  }
0x157: {  	v4 =	vand.u32 $0x7, v4;
	v5 =	vand.u32 $0xFFFFFFF0, v5  }
0x158: {  	v4 =	vor.u32 v4, v5  }
0x159: {  	v5 =	vperm.xlane v4, v0;
	_ =	sdelay $0x1  }
0x15a: {  	v4 =	vperm.xlane v4, v2;
	v5 =	vadd.s32 v1, v5;
	_ =	sdelay $0x1  }
0x15b: {  	v4 =	vadd.s32 v1, v4;
	_ =	sdelay $0x2  }
0x15c: {  	[tilespmem:s28], [sflag:$0x1] =	stream.indirect_vreg.gather [hbm4b:s1+s4], $0x80, v5, vm0, $0xb8;
	[tilespmem:$0x16400] =	vst v63  }
0x15d: {  	_ = 	snop  }
0x15e: {  	[tilespmem:s29], [sflag:$0x1] =	stream.indirect_vreg.gather [hbm4b:s1+s4], $0x80, v4, vm0, $0xb8;
	[tilespmem:$0x16400] =	vst v63  }
.LBB2_8:
0x15f: {  	s24 =	sor.u32 $0x1, s23  }
0x160: {  	p0 =	sge.u32 s24, s6  }
0x161: {  	s25 =	simm.s32 @!p0 $0x2  }
0x162: {  	s24 =	sshll.u32 @!p0 s24, $0xF;
	s26 =	simm.s32 @!p0 $0xE400;
	s23 =	sadd.s32 @!p0 $0x3, s23  }
0x163: {  	_ =	swait.ge @!p0 [sflag:s25], $0x8000;
	s24 =	sadd.s32 @!p0 s8, s24;
	p1 =	sge.u32 @!p0 s23, s6  }
0x164: {  	[sflag:s25] =	ssyncset.done @!p0 $0x0;
	s24 =	sshrl.u32 @!p0 s24, $0x3;
	p1 =	por p0, p1  }
0x165: {  	[sflag:s25] =	ssyncadd.s32 @!p0 $0xFFFF8000;
	s24 =	sadd.s32 @!p0 s3, s24;
	s25 =	simm.s32 @!p0 $0x0  }
0x166: {  	[hbm4b:s24+s25] =	stream.linear.scatter @!p0 [tilespmem:s26], [sflag:$0x4], $0x8000, $0x38;
	[tilespmem:$0x16400] =	vst v63  }
.Ltmp7:
0x167: {  	_ = 	snop;
	(pc) =	sbr.rel @p1 .LBB2_10-.Ltmp7, $4  }
0x168: {  	s24 =	simm.s32 @!p0 $0x4  }
0x169: {  	_ =	swait.ge @!p0 [sflag:s24], $0x8000  }
0x16a: {  	[sflag:s24] =	ssyncset.done @!p0 $0x0  }
0x16b: {  	[sflag:s24] =	ssyncadd.s32 @!p0 $0xFFFF8000  }
0x16c: {  	s23 =	sshll.u32 s23, $0x7  }
0x16d: {  	s23 =	sand.u32 $0x3FFFFF80, s23  }
0x16e: {  	v4 =	vld [tilespmem:s23+$0x0];
	_ =	sdelay $0x4  }
0x16f: {  	v5 =	vshll.u32 v4, $0x1  }
0x170: {  	v4 =	vand.u32 $0x7, v4;
	v5 =	vand.u32 $0xFFFFFFF0, v5  }
0x171: {  	v4 =	vor.u32 v4, v5  }
0x172: {  	v5 =	vperm.xlane v4, v0;
	_ =	sdelay $0x1  }
0x173: {  	v4 =	vperm.xlane v4, v2;
	v5 =	vadd.s32 v1, v5;
	_ =	sdelay $0x1  }
0x174: {  	v4 =	vadd.s32 v1, v4;
	_ =	sdelay $0x2  }
0x175: {  	[tilespmem:s30], [sflag:$0x2] =	stream.indirect_vreg.gather [hbm4b:s1+s4], $0x80, v5, vm0, $0xb8;
	[tilespmem:$0x16400] =	vst v63  }
0x176: {  	_ = 	snop  }
0x177: {  	[tilespmem:s31], [sflag:$0x2] =	stream.indirect_vreg.gather [hbm4b:s1+s4], $0x80, v4, vm0, $0xb8;
	[tilespmem:$0x16400] =	vst v63  }
0x178: {  	v4 =	vld [tilespmem:s23+$0x10];
	_ =	sdelay $0x4  }
0x179: {  	v5 =	vshll.u32 v4, $0x1  }
0x17a: {  	v4 =	vand.u32 $0x7, v4;
	v5 =	vand.u32 $0xFFFFFFF0, v5  }
0x17b: {  	v4 =	vor.u32 v4, v5  }
0x17c: {  	v5 =	vperm.xlane v4, v0;
	_ =	sdelay $0x1  }
0x17d: {  	v4 =	vperm.xlane v4, v2;
	v5 =	vadd.s32 v1, v5;
	_ =	sdelay $0x1  }
0x17e: {  	v4 =	vadd.s32 v1, v4;
	_ =	sdelay $0x2  }
0x17f: {  	[tilespmem:s2], [sflag:$0x2] =	stream.indirect_vreg.gather [hbm4b:s1+s4], $0x80, v5, vm0, $0xb8;
	[tilespmem:$0x16400] =	vst v63  }
0x180: {  	_ = 	snop  }
0x181: {  	[tilespmem:s0], [sflag:$0x2] =	stream.indirect_vreg.gather [hbm4b:s1+s4], $0x80, v4, vm0, $0xb8;
	[tilespmem:$0x16400] =	vst v63  }
0x182: {  	v4 =	vld [tilespmem:s23+$0x20];
	_ =	sdelay $0x4  }
0x183: {  	v5 =	vshll.u32 v4, $0x1  }
0x184: {  	v4 =	vand.u32 $0x7, v4;
	v5 =	vand.u32 $0xFFFFFFF0, v5  }
0x185: {  	v4 =	vor.u32 v4, v5  }
0x186: {  	v5 =	vperm.xlane v4, v0;
	_ =	sdelay $0x1  }
0x187: {  	v4 =	vperm.xlane v4, v2;
	v5 =	vadd.s32 v1, v5;
	_ =	sdelay $0x1  }
0x188: {  	v4 =	vadd.s32 v1, v4;
	_ =	sdelay $0x2  }
0x189: {  	[tilespmem:s5], [sflag:$0x2] =	stream.indirect_vreg.gather [hbm4b:s1+s4], $0x80, v5, vm0, $0xb8;
	[tilespmem:$0x16400] =	vst v63  }
0x18a: {  	_ = 	snop  }
0x18b: {  	[tilespmem:s7], [sflag:$0x2] =	stream.indirect_vreg.gather [hbm4b:s1+s4], $0x80, v4, vm0, $0xb8;
	[tilespmem:$0x16400] =	vst v63  }
0x18c: {  	v4 =	vld [tilespmem:s23+$0x30];
	_ =	sdelay $0x4  }
0x18d: {  	v5 =	vshll.u32 v4, $0x1  }
0x18e: {  	v4 =	vand.u32 $0x7, v4;
	v5 =	vand.u32 $0xFFFFFFF0, v5  }
0x18f: {  	v4 =	vor.u32 v4, v5  }
0x190: {  	v5 =	vperm.xlane v4, v0;
	_ =	sdelay $0x1  }
0x191: {  	v4 =	vperm.xlane v4, v2;
	v5 =	vadd.s32 v1, v5;
	_ =	sdelay $0x1  }
0x192: {  	v4 =	vadd.s32 v1, v4;
	_ =	sdelay $0x2  }
0x193: {  	[tilespmem:s9], [sflag:$0x2] =	stream.indirect_vreg.gather [hbm4b:s1+s4], $0x80, v5, vm0, $0xb8;
	[tilespmem:$0x16400] =	vst v63  }
0x194: {  	_ = 	snop  }
0x195: {  	[tilespmem:s10], [sflag:$0x2] =	stream.indirect_vreg.gather [hbm4b:s1+s4], $0x80, v4, vm0, $0xb8;
	[tilespmem:$0x16400] =	vst v63  }
0x196: {  	v4 =	vld [tilespmem:s23+$0x40];
	_ =	sdelay $0x4  }
0x197: {  	v5 =	vshll.u32 v4, $0x1  }
0x198: {  	v4 =	vand.u32 $0x7, v4;
	v5 =	vand.u32 $0xFFFFFFF0, v5  }
0x199: {  	v4 =	vor.u32 v4, v5  }
0x19a: {  	v5 =	vperm.xlane v4, v0;
	_ =	sdelay $0x1  }
0x19b: {  	v4 =	vperm.xlane v4, v2;
	v5 =	vadd.s32 v1, v5;
	_ =	sdelay $0x1  }
0x19c: {  	v4 =	vadd.s32 v1, v4;
	_ =	sdelay $0x2  }
0x19d: {  	[tilespmem:s11], [sflag:$0x2] =	stream.indirect_vreg.gather [hbm4b:s1+s4], $0x80, v5, vm0, $0xb8;
	[tilespmem:$0x16400] =	vst v63  }
0x19e: {  	_ = 	snop  }
0x19f: {  	[tilespmem:s12], [sflag:$0x2] =	stream.indirect_vreg.gather [hbm4b:s1+s4], $0x80, v4, vm0, $0xb8;
	[tilespmem:$0x16400] =	vst v63  }
0x1a0: {  	v4 =	vld [tilespmem:s23+$0x50];
	_ =	sdelay $0x4  }
0x1a1: {  	v5 =	vshll.u32 v4, $0x1  }
0x1a2: {  	v4 =	vand.u32 $0x7, v4;
	v5 =	vand.u32 $0xFFFFFFF0, v5  }
0x1a3: {  	v4 =	vor.u32 v4, v5  }
0x1a4: {  	v5 =	vperm.xlane v4, v0;
	_ =	sdelay $0x1  }
0x1a5: {  	v4 =	vperm.xlane v4, v2;
	v5 =	vadd.s32 v1, v5;
	_ =	sdelay $0x1  }
0x1a6: {  	v4 =	vadd.s32 v1, v4;
	_ =	sdelay $0x2  }
0x1a7: {  	[tilespmem:s13], [sflag:$0x2] =	stream.indirect_vreg.gather [hbm4b:s1+s4], $0x80, v5, vm0, $0xb8;
	[tilespmem:$0x16400] =	vst v63  }
0x1a8: {  	_ = 	snop  }
0x1a9: {  	[tilespmem:s14], [sflag:$0x2] =	stream.indirect_vreg.gather [hbm4b:s1+s4], $0x80, v4, vm0, $0xb8;
	[tilespmem:$0x16400] =	vst v63  }
0x1aa: {  	v4 =	vld [tilespmem:s23+$0x60];
	_ =	sdelay $0x4  }
0x1ab: {  	v5 =	vshll.u32 v4, $0x1  }
0x1ac: {  	v4 =	vand.u32 $0x7, v4;
	v5 =	vand.u32 $0xFFFFFFF0, v5  }
0x1ad: {  	v4 =	vor.u32 v4, v5  }
0x1ae: {  	v5 =	vperm.xlane v4, v0;
	_ =	sdelay $0x1  }
0x1af: {  	v4 =	vperm.xlane v4, v2;
	v5 =	vadd.s32 v1, v5;
	_ =	sdelay $0x1  }
0x1b0: {  	v4 =	vadd.s32 v1, v4;
	_ =	sdelay $0x2  }
0x1b1: {  	[tilespmem:s15], [sflag:$0x2] =	stream.indirect_vreg.gather [hbm4b:s1+s4], $0x80, v5, vm0, $0xb8;
	[tilespmem:$0x16400] =	vst v63  }
0x1b2: {  	_ = 	snop  }
0x1b3: {  	[tilespmem:s16], [sflag:$0x2] =	stream.indirect_vreg.gather [hbm4b:s1+s4], $0x80, v4, vm0, $0xb8;
	[tilespmem:$0x16400] =	vst v63  }
0x1b4: {  	v4 =	vld [tilespmem:s23+$0x70];
	_ =	sdelay $0x4  }
0x1b5: {  	v5 =	vshll.u32 v4, $0x1  }
0x1b6: {  	v4 =	vand.u32 $0x7, v4;
	v5 =	vand.u32 $0xFFFFFFF0, v5  }
0x1b7: {  	v4 =	vor.u32 v4, v5  }
0x1b8: {  	v5 =	vperm.xlane v4, v0;
	_ =	sdelay $0x1  }
0x1b9: {  	v4 =	vperm.xlane v4, v2;
	v5 =	vadd.s32 v1, v5;
	_ =	sdelay $0x1  }
0x1ba: {  	v4 =	vadd.s32 v1, v4  }
.Ltmp8:
0x1bb: {  	_ = 	snop;
	(pc) =	sbr.rel .LBB2_10-.Ltmp8, $4  }
0x1bc: {  	_ = 	snop  }
0x1bd: {  	[tilespmem:s17], [sflag:$0x2] =	stream.indirect_vreg.gather [hbm4b:s1+s4], $0x80, v5, vm0, $0xb8;
	[tilespmem:$0x16400] =	vst v63  }
0x1be: {  	_ = 	snop  }
0x1bf: {  	[tilespmem:s18], [sflag:$0x2] =	stream.indirect_vreg.gather [hbm4b:s1+s4], $0x80, v4, vm0, $0xb8;
	[tilespmem:$0x16400] =	vst v63  }
.LBB2_12:
0x1c0: {  	_ =	sfence.sel $0x180000  }
0x1c1: {  	[bflag:$0x0] =	sbarrier.arrive $0xFFFF  }
0x1c2: {  	_ =	strace $0x90000047  }
0x1c3: {  	s0 =	stileid.u32;
	[bflag:$0x2] =	sbarrier.arrive $0xFFFF  }
0x1c4: {  	p0 =	sne.s32 s0, $0x0;
	s0 =	rddreg [dreg:$0x4]  }
0x1c5: {  	s0 =	sadd.s32 @!p0 $0x100000, s0  }
0x1c6: {  	[sflag:s0] =	ssyncadd.tile.s32 @!p0 $0x1;
	_ =	shalt  }
.Lfunc_end2:
_tile_overlayer_lowered:
.L_overlay_start_2:
0x1c7: {  	(tag) =	ssettag $0x2  }
0x1c8: {  	s0 =	rddreg [dreg:$0x0];
	s2 =	stileid.u32  }
0x1c9: {  	s1 =	rddreg [dreg:$0x1];
	p0 =	sne.s32 s2, $0x0  }
0x1ca: {  	s3 =	rddreg [dreg:$0x2];
	[bflag:$0x3] =	sbarrier.arrive $0xFFFF;
	s2 =	simm.s32 @!p0 $0x1C05  }
0x1cb: {  	[timem:s3], [sflag:s2] =	dma.local @!p0 [hbm:s0], s1  }
0x1cc: {  	s0 =	simm.s32 @!p0 $0x5  }
0x1cd: {  	_ =	swait.ge @!p0 [sflag:s0], s1  }
0x1ce: {  	s1 =	ssub.s32 @!p0 $0x0, s1;
	[sflag:s0] =	ssyncset.done @!p0 $0x0  }
0x1cf: {  	[sflag:s0] =	ssyncadd.s32 @!p0 s1  }
0x1d0: {  	[bflag:$0x3] =	sbarrier.arrive $0xFFFF  }
0x1d1: {  	_ =	shalt  }

// kernel: mp_prefix.3.cloned.1.call-start
scs
__scs_entry_jumppad:
0x0: {  	(pc) =	sbr.rel $0x88, $3  }
0x1: {  	(tag) =	ssettag $0x0;
	lr =	simm.s32 $0x1  }
0x2: {  	[smem:$0x3F9F] =	sst lr;
	_ =	strace $0xD0000000  }
0x3: {  	_ = 	snop  }
0x4: {  	_ = 	snop  }
0x5: {  	_ = 	snop  }
0x6: {  	_ = 	snop  }
0x7: {  	_ = 	snop  }
__scs_overlays_trampoline_lowered:
0x8: {  	[smem:$0x3FAE] =	sst s0  }
0x9: {  	[smem:$0x3FAF] =	sst s1  }
0xa: {  	[smem:$0x3FB0] =	sst s2  }
0xb: {  	[smem:$0x3FB1] =	sst s3  }
0xc: {  	[smem:$0x3FB2] =	sst s4  }
0xd: {  	[smem:$0x3FB3] =	sst s5  }
0xe: {  	[smem:$0x3FB4] =	sst s6  }
0xf: {  	[smem:$0x3FB5] =	sst s7  }
0x10: {  	[smem:$0x3FB6] =	sst s8  }
0x11: {  	[smem:$0x3FB7] =	sst s9;
	s0 =	simm.s32 @!p0 $0x0  }
0x12: {  	s1 =	sld [smem:$0x3F9D];
	s0 =	simm.s32 @p0 $0x1  }
0x13: {  	[smem:$0x3FB8] =	sst s0;
	s0 =	simm.s32 @!p1 $0x0  }
0x14: {  	s2 =	sld [smem:$0x3F9C];
	s0 =	simm.s32 @p1 $0x1  }
0x15: {  	[smem:$0x3FB9] =	sst s0;
	s0 =	simm.s32 @!p2 $0x0  }
0x16: {  	s3 =	sld [smem:$0x3FDB];
	s0 =	simm.s32 @p2 $0x1  }
0x17: {  	s4 =	simm.s32 $0x1BF5;
	[smem:$0x3FBB] =	sst s0  }
0x18: {  	s0 =	sld [smem:$0x3F9E];
	_ =	swait.ge [sflag:s4], $0x0  }
0x19: {  	s7 =	sld [smem:$0x3F9F]  }
0x1a: {  	s8 =	sadd.s32 $0xFFFFE003, lr  }
0x1b: {  	s9 =	sadd.s32 $0xFFFFFEF7, lr;
	s5 =	simm.s32 $0xFFFFFFFF;
	p2 =	slt.u32 s8, $0xFFFFF086  }
0x1c: {  	p1 =	slt.u32 s9, $0xF7A;
	s5 =	simm.s32 @!p2 $0x0  }
0x1d: {  	s5 =	simm.s32 @p1 $0x1;
	p0 =	seq.s32 s7, s2  }
0x1e: {  	s7 =	smul.u32 @!p0 $0xF7A, s2;
	p2 =	seq.s32 @!p0 s5, $0x0  }
0x1f: {  	s9 =	smul.u32 $0xF7A, s1;
	s8 =	simm.s32 @!p0 $0x1BF5;
	p2 =	por !p2, p0  }
0x20: {  	[sflag:s8] =	ssyncset.s32 @!p0 $0xFFFFF086;
	s6 =	sadd.s32 @!p0 s3, s7;
	s7 =	simm.s32 @!p0 $0x108  }
0x21: {  	s3 =	sadd.s32 s3, s9;
	s6 =	sadd.s32 @!p0 $0x88, s6;
	s7 =	simm.s32 @p2 $0x1082  }
0x22: {  	[simem:s7], [sflag:s8] =	dma.local @!p0 [hbm:s6], $0xF7A  }
0x23: {  	s9 =	sor.u32 $0xD0000000, s2;
	s6 =	simm.s32 $0x108;
	_ =	swait.ge @!p0 [sflag:s8], $0x0  }
0x24: {  	s3 =	sadd.s32 $0x88, s3;
	s6 =	simm.s32 @!p1 $0x1082;
	[sflag:s4] =	ssyncset.s32 $0xFFFFF086  }
0x25: {  	[simem:s6], [sflag:s4] =	dma.local [hbm:s3], $0xF7A  }
0x26: {  	[smem:$0x3F9F] =	sst s1;
	(tag) =	ssettag s2;
	_ =	strace s9  }
0x27: {  	s1 =	sld [smem:$0x3FAF]  }
0x28: {  	s2 =	sld [smem:$0x3FB0]  }
0x29: {  	s4 =	sld [smem:$0x3FB2]  }
0x2a: {  	p0 =	seq.s32 s5, $0x0;
	s5 =	sld [smem:$0x3FB3]  }
0x2b: {  	s6 =	sld [smem:$0x3FB4]  }
0x2c: {  	s7 =	sld [smem:$0x3FB5]  }
0x2d: {  	s3 =	simm.s32 $0x108;
	s8 =	sld [smem:$0x3FB6]  }
0x2e: {  	s3 =	simm.s32 @!p0 $0x1082;
	s9 =	sld [smem:$0x3FB7]  }
0x2f: {  	lr =	sadd.s32 s0, s3;
	s0 =	sld [smem:$0x3FAE]  }
0x30: {  	s3 =	sld [smem:$0x3FB1]  }
0x31: {  	[smem:$0x3FBA] =	sst s10  }
0x32: {  	s10 =	sld [smem:$0x3FB8];
	_ =	sdelay $0x3  }
0x33: {  	p0 =	seq.s32 s10, $0x1;
	s10 =	sld [smem:$0x3FBA];
	_ =	sdelay $0x3  }
0x34: {  	[smem:$0x3FBA] =	sst s10  }
0x35: {  	s10 =	sld [smem:$0x3FB9];
	_ =	sdelay $0x3  }
0x36: {  	p1 =	seq.s32 s10, $0x1;
	s10 =	sld [smem:$0x3FBA];
	_ =	sdelay $0x3  }
0x37: {  	[smem:$0x3FBA] =	sst s10  }
0x38: {  	s10 =	sld [smem:$0x3FBB]  }
0x39: {  	_ = 	snop;
	(pc) =	sbr.ind lr, $3  }
0x3a: {  	_ = 	snop  }
0x3b: {  	_ = 	snop  }
0x3c: {  	p2 =	seq.s32 s10, $0x1;
	s10 =	sld [smem:$0x3FBA]  }
0x3d: {  	_ =	shalt  }
0x3e: {  	_ =	shalt  }
0x3f: {  	_ =	shalt  }
0x40: {  	_ =	shalt  }
0x41: {  	_ =	shalt  }
0x42: {  	_ =	shalt  }
0x43: {  	_ =	shalt  }
0x44: {  	_ =	shalt  }
0x45: {  	_ =	shalt  }
0x46: {  	_ =	shalt  }
0x47: {  	_ =	shalt  }
0x48: {  	_ =	shalt  }
0x49: {  	_ =	shalt  }
0x4a: {  	_ =	shalt  }
0x4b: {  	_ =	shalt  }
0x4c: {  	_ =	shalt  }
0x4d: {  	_ =	shalt  }
0x4e: {  	_ =	shalt  }
0x4f: {  	_ =	shalt  }
0x50: {  	_ =	shalt  }
0x51: {  	_ =	shalt  }
0x52: {  	_ =	shalt  }
0x53: {  	_ =	shalt  }
0x54: {  	_ =	shalt  }
0x55: {  	_ =	shalt  }
0x56: {  	_ =	shalt  }
0x57: {  	_ =	shalt  }
0x58: {  	_ =	shalt  }
0x59: {  	_ =	shalt  }
0x5a: {  	_ =	shalt  }
0x5b: {  	_ =	shalt  }
0x5c: {  	_ =	shalt  }
0x5d: {  	_ =	shalt  }
0x5e: {  	_ =	shalt  }
0x5f: {  	_ =	shalt  }
0x60: {  	_ =	shalt  }
0x61: {  	_ =	shalt  }
0x62: {  	_ =	shalt  }
0x63: {  	_ =	shalt  }
0x64: {  	_ =	shalt  }
0x65: {  	_ =	shalt  }
0x66: {  	_ =	shalt  }
0x67: {  	_ =	shalt  }
0x68: {  	_ =	shalt  }
0x69: {  	_ =	shalt  }
0x6a: {  	_ =	shalt  }
0x6b: {  	_ =	shalt  }
0x6c: {  	_ =	shalt  }
0x6d: {  	_ =	shalt  }
0x6e: {  	_ =	shalt  }
0x6f: {  	_ =	shalt  }
0x70: {  	_ =	shalt  }
0x71: {  	_ =	shalt  }
0x72: {  	_ =	shalt  }
0x73: {  	_ =	shalt  }
0x74: {  	_ =	shalt  }
0x75: {  	_ =	shalt  }
0x76: {  	_ =	shalt  }
0x77: {  	_ =	shalt  }
0x78: {  	_ =	shalt  }
0x79: {  	_ =	shalt  }
0x7a: {  	_ =	shalt  }
0x7b: {  	_ =	shalt  }
0x7c: {  	_ =	shalt  }
0x7d: {  	_ =	shalt  }
0x7e: {  	_ =	shalt  }
0x7f: {  	_ =	shalt  }
0x80: {  	_ =	shalt  }
0x81: {  	_ =	shalt  }
0x82: {  	_ =	shalt  }
0x83: {  	_ =	shalt  }
0x84: {  	_ =	shalt  }
0x85: {  	_ =	shalt  }
0x86: {  	_ =	shalt  }
0x87: {  	_ =	shalt  }
.Lfunc_end0:
.L_simem_size_0:
called_computation.1_lowered:
.L_overlay_start_0:
0x88: {  	s2 =	sld [smem:$0x3FD9]  }
0x89: {  	s3 =	sld [smem:$0x3FFE];
	_ =	sdelay $0x1  }
0x8a: {  	s1 =	srdreg.scid  }
0x8b: {  	s0 =	sand.u32 $0x1, s1  }
0x8c: {  	s14 =	sshll.u32 s0, $0xA;
	s2 =	sadd.s32 s3, s2  }
0x8d: {  	s2 =	sadd.s32 s2, s14  }
0x8e: {  	[smem:$0x3FC6] =	sst s2  }
0x8f: {  	_ = 	snop  }
0x90: {  	s2 =	sld [smem:$0x3FD0];
	_ =	sdelay $0x2  }
0x91: {  	s15 =	simm.s32 $0xA;
	s4 =	simm.s32 $0x10  }
0x92: {  	[smem:s4], [sflag:s15] =	dma.local [hbm:s2], $0x1  }
0x93: {  	_ =	swait.eq [sflag:s15], $0x1  }
0x94: {  	[sflag:s15] =	ssyncset.done $0x0  }
0x95: {  	[sflag:s15] =	ssyncadd.s32 $0xFFFFFFFF  }
0x96: {  	s16 =	sld [smem:$0x11];
	(tm) =	ssettm $0x1  }
0x97: {  	s17 =	sld [smem:$0x3FFB];
	_ =	sdelay $0x3  }
0x98: {  	_ =	strace s17  }
0x99: {  	s3 =	sld [smem:$0x3FFC];
	_ =	sdelay $0x3  }
0x9a: {  	_ =	strace s3  }
0x9b: {  	s3 =	sld [smem:$0x3FFD];
	_ =	sdelay $0x3  }
0x9c: {  	_ =	strace s3  }
0x9d: {  	_ =	strace $0x8FFFFFFF  }
0x9e: {  	s18 =	sld [smem:$0x3FDB];
	_ =	sdelay $0x1  }
0x9f: {  	s19 =	simm.s32 $_scs_section_size  }
0xa0: {  	s5 =	simm.s32 $_size__tile_overlayer_lowered;
	s6 =	simm.s32 $_tile_overlayer_lowered  }
0xa1: {  	s22 =	simm.s32 $0x1BFF;
	s21 =	sshll.u32 s6, $0x1;
	s3 =	sadd.s32 s19, s18  }
0xa2: {  	s7 =	simm.s32 $0x0;
	s20 =	sshll.u32 s5, $0x1;
	s5 =	sadd.s32 s21, s3  }
0xa3: {  	[timem:s7], [sflag:s22] =	dma.local [hbm:s5], s20  }
0xa4: {  	_ =	swait.ge [sflag:s22], s20  }
0xa5: {  	s4 =	ssub.s32 $0x0, s20;
	[sflag:s22] =	ssyncset.done $0x0  }
0xa6: {  	[sflag:s22] =	ssyncadd.s32 s4;
	_ =	sdelay $0x1  }
0xa7: {  	s23 =	simm.s32 $0x1B8B  }
0xa8: {  	_ =	swait.ge [sflag:s23], $0x1  }
0xa9: {  	[sflag:s23] =	ssyncset.done $0x0  }
0xaa: {  	s25 =	simm.s32 $0x1B8E;
	s24 =	sld [smem:$0x3FFE];
	[sflag:s23] =	ssyncadd.s32 $0xFFFFFFFF  }
0xab: {  	s26 =	simm.s32 $execute0_lowered;
	[smem:$0x3FD2] =	sst s25  }
0xac: {  	s5 =	sshll.u32 s26, $0x1;
	_ =	strace $0x80000049;
	[dreg:$0x1] =	wrdreg $0xFFFFFFFF  }
0xad: {  	s28 =	simm.s32 $_size_execute0_lowered;
	s3 =	sadd.s32 s3, s5;
	[dreg:$0x0] =	wrdreg $0x0  }
0xae: {  	s5 =	sshll.u32 s28, $0x1;
	[dreg:$0x2] =	wrdreg s3  }
0xaf: {  	[dreg:$0x3] =	wrdreg s5  }
0xb0: {  	[dreg:$0x4] =	wrdreg $0xC0  }
0xb1: {  	_ =	task [dreg:s7], $0x5FFFF  }
0xb2: {  	[dreg:$0x1] =	wrdreg $0xFFFFFFFF  }
0xb3: {  	[dreg:$0x0] =	wrdreg $0x60  }
0xb4: {  	[dreg:$0x2] =	wrdreg s16  }
0xb5: {  	[dreg:$0x3] =	wrdreg s24  }
0xb6: {  	[dreg:$0x4] =	wrdreg $0x9  }
0xb7: {  	_ =	task.clear_ibuf [dreg:s7], $0x5FFFF;
	_ =	strace $0x90000049  }
0xb8: {  	s29 =	simm.s32 $0x9;
	_ =	strace $0x8000004B  }
0xb9: {  	_ =	swait.ge [sflag:s29], $0x1  }
0xba: {  	[sflag:s29] =	ssyncadd.s32 $0xFFFFFFFF  }
0xbb: {  	_ =	strace $0x9000004B  }
0xbc: {  	_ =	sfence  }
0xbd: {  	s30 =	sld [smem:$0x0];
	_ =	sdelay $0x2  }
0xbe: {  	s31 =	sshll.u32 s1, $0xD;
	s1 =	sshrl.u32 s1, $0x2  }
0xbf: {  	s3 =	sand.u32 $0x4000, s31;
	s1 =	sadd.s32 s1, s30  }
0xc0: {  	s0 =	sor.u32 s3, s0;
	s1 =	sshll.u32 s1, $0x11  }
0xc1: {  	s0 =	sor.u32 s1, s0  }
0xc2: {  	s0 =	sadd.s32 $0x8F2B, s0  }
0xc3: {  	[sflag:s0] =	ssyncadd.remote.s32 $0x1  }
0xc4: {  	_ =	sfence.sel $0xFFFF  }
0xc5: {  	[dreg:$0x0] =	wrdreg $0xFFFFFFFF;
	(pc) =	sbr.abs _section_cstart, $3  }
0xc6: {  	[dreg:$0x1] =	wrdreg $0xFFFFFFFF  }
0xc7: {  	_ =	task.clear_ibuf [dreg:s7], $0x2FFFF;
	_ =	strace $0x9FFFFFFF  }
0xc8: {  	(tm) =	ssettm $0x7FFFFFFF  }
0xc9: {  	_ =	shalt  }
tec
execute0_lowered:
.L_overlay_start_1:
0x0: {  	(tag) =	ssettag $0x1  }
0x1: {  	s3 =	rddreg [dreg:$0x0];
	s1 =	srdreg.scid  }
0x2: {  	s0 =	stileid.u32;
	s4 =	rddreg [dreg:$0x1];
	s2 =	simm.s32 $0x0  }
0x3: {  	s8 =	simm.s32 $0x1;
	s5 =	sand.u32 $0x1, s1;
	s6 =	sshll.u32 s0, $0x1  }
0x4: {  	s9 =	simm.s32 $0x0;
	s6 =	sor.u32 s5, s6;
	s5 =	ssub.s32 $0x2, s5  }
0x5: {  	[smem:$0x7FF] =	sst s2;
	s6 =	smul.u32 $0x28, s6;
	s7 =	sshrl.u32 s5, $0x1  }
0x6: {  	s1 =	rddreg [dreg:$0x2];
	_ =	strace $0x8000004A;
	s5 =	ssub.s32 s5, s7  }
0x7: {  	s7 =	simm.s32 $0x2800;
	s4 =	sadd.s32 s6, s4;
	s3 =	sadd.s32 s3, s6  }
0x8: {  	s5 =	smax.u32 s5, $0x1;
	s6 =	simm.s32 $0x140;
	s4 =	sadd.s32 $0x5C00, s4  }
.LBB2_1:
0x9: {  	[tilespmem:s2], [sflag:$0x1] =	stream.strided.gather [hbm4b:s3+s6], $0x2800, s7, s6, $0x38;
	[tilespmem:$0x2800] =	vst v63  }
0xa: {  	_ =	swait.ge [sflag:s8], $0x2800  }
0xb: {  	[sflag:s8] =	ssyncset.done $0x0  }
0xc: {  	s11 =	simm.s32 $0x0;
	v0 =	vimm.s32 $0x0;
	[sflag:s8] =	ssyncadd.s32 $0xFFFFD800  }
0xd: {  	s10 =	simm.s32 $0x500;
	v2 =	vimm.s32 $0x0;
	v1 =	vld [tilespmem:s11+$0x0];
	[tilespmem:s11+$0x0] =	vst v0  }
.LBB2_2:
0xe: {  	p0 =	sne.s32 s10, $0x9B00  }
.Ltmp0:
0xf: {  	_ = 	snop;
	(pc) =	sbr.rel @p0 .LBB2_2-.Ltmp0, $3  }
0x10: {  	_ =	sdelay $0x1  }
0x11: {  	s11 =	sshra.s32 s10, $0x2;
	s10 =	sadd.s32 $0x500, s10;
	v2 =	vadd.s32 v2, v1  }
0x12: {  	v1 =	vld [tilespmem:s11+$0x0];
	[tilespmem:s11+$0x0] =	vst v2  }
0x13: {  	s11 =	simm.s32 $0x10  }
0x14: {  	s10 =	simm.s32 $0x540;
	v1 =	vld [tilespmem:s11+$0x0];
	[tilespmem:s11+$0x0] =	vst v0  }
.LBB2_4:
0x15: {  	p0 =	sne.s32 s10, $0x9B40  }
.Ltmp1:
0x16: {  	_ = 	snop;
	(pc) =	sbr.rel @p0 .LBB2_4-.Ltmp1, $3  }
0x17: {  	_ =	sdelay $0x1  }
0x18: {  	s11 =	sshra.s32 s10, $0x2;
	s10 =	sadd.s32 $0x500, s10;
	v0 =	vadd.s32 v0, v1  }
0x19: {  	v1 =	vld [tilespmem:s11+$0x0];
	[tilespmem:s11+$0x0] =	vst v0  }
0x1a: {  	s11 =	simm.s32 $0x20;
	v0 =	vimm.s32 $0x0  }
0x1b: {  	s10 =	simm.s32 $0x580;
	v2 =	vimm.s32 $0x0;
	v1 =	vld [tilespmem:s11+$0x0];
	[tilespmem:s11+$0x0] =	vst v0  }
.LBB2_6:
0x1c: {  	p0 =	sne.s32 s10, $0x9B80  }
.Ltmp2:
0x1d: {  	_ = 	snop;
	(pc) =	sbr.rel @p0 .LBB2_6-.Ltmp2, $3  }
0x1e: {  	_ =	sdelay $0x1  }
0x1f: {  	s11 =	sshra.s32 s10, $0x2;
	s10 =	sadd.s32 $0x500, s10;
	v2 =	vadd.s32 v2, v1  }
0x20: {  	v1 =	vld [tilespmem:s11+$0x0];
	[tilespmem:s11+$0x0] =	vst v2  }
0x21: {  	s11 =	simm.s32 $0x30  }
0x22: {  	s10 =	simm.s32 $0x5C0;
	v1 =	vld [tilespmem:s11+$0x0];
	[tilespmem:s11+$0x0] =	vst v0  }
.LBB2_8:
0x23: {  	p0 =	sne.s32 s10, $0x9BC0  }
.Ltmp3:
0x24: {  	_ = 	snop;
	(pc) =	sbr.rel @p0 .LBB2_8-.Ltmp3, $3  }
0x25: {  	_ =	sdelay $0x1  }
0x26: {  	s11 =	sshra.s32 s10, $0x2;
	s10 =	sadd.s32 $0x500, s10;
	v0 =	vadd.s32 v0, v1  }
0x27: {  	v1 =	vld [tilespmem:s11+$0x0];
	[tilespmem:s11+$0x0] =	vst v0  }
0x28: {  	s11 =	simm.s32 $0x40;
	v0 =	vimm.s32 $0x0  }
0x29: {  	s10 =	simm.s32 $0x600;
	v2 =	vimm.s32 $0x0;
	v1 =	vld [tilespmem:s11+$0x0];
	[tilespmem:s11+$0x0] =	vst v0  }
.LBB2_10:
0x2a: {  	p0 =	sne.s32 s10, $0x9C00  }
.Ltmp4:
0x2b: {  	_ = 	snop;
	(pc) =	sbr.rel @p0 .LBB2_10-.Ltmp4, $3  }
0x2c: {  	_ =	sdelay $0x1  }
0x2d: {  	s11 =	sshra.s32 s10, $0x2;
	s10 =	sadd.s32 $0x500, s10;
	v2 =	vadd.s32 v2, v1  }
0x2e: {  	v1 =	vld [tilespmem:s11+$0x0];
	[tilespmem:s11+$0x0] =	vst v2  }
0x2f: {  	s11 =	simm.s32 $0x50  }
0x30: {  	s10 =	simm.s32 $0x640;
	v1 =	vld [tilespmem:s11+$0x0];
	[tilespmem:s11+$0x0] =	vst v0  }
.LBB2_12:
0x31: {  	p0 =	sne.s32 s10, $0x9C40  }
.Ltmp5:
0x32: {  	_ = 	snop;
	(pc) =	sbr.rel @p0 .LBB2_12-.Ltmp5, $3  }
0x33: {  	_ =	sdelay $0x1  }
0x34: {  	s11 =	sshra.s32 s10, $0x2;
	s10 =	sadd.s32 $0x500, s10;
	v0 =	vadd.s32 v0, v1  }
0x35: {  	v1 =	vld [tilespmem:s11+$0x0];
	[tilespmem:s11+$0x0] =	vst v0  }
0x36: {  	s11 =	simm.s32 $0x60;
	v0 =	vimm.s32 $0x0  }
0x37: {  	s10 =	simm.s32 $0x680;
	v2 =	vimm.s32 $0x0;
	v1 =	vld [tilespmem:s11+$0x0];
	[tilespmem:s11+$0x0] =	vst v0  }
.LBB2_14:
0x38: {  	p0 =	sne.s32 s10, $0x9C80  }
.Ltmp6:
0x39: {  	_ = 	snop;
	(pc) =	sbr.rel @p0 .LBB2_14-.Ltmp6, $3  }
0x3a: {  	_ =	sdelay $0x1  }
0x3b: {  	s11 =	sshra.s32 s10, $0x2;
	s10 =	sadd.s32 $0x500, s10;
	v2 =	vadd.s32 v2, v1  }
0x3c: {  	v1 =	vld [tilespmem:s11+$0x0];
	[tilespmem:s11+$0x0] =	vst v2  }
0x3d: {  	s11 =	simm.s32 $0x70  }
0x3e: {  	s10 =	simm.s32 $0x6C0;
	v1 =	vld [tilespmem:s11+$0x0];
	[tilespmem:s11+$0x0] =	vst v0  }
.LBB2_16:
0x3f: {  	p0 =	sne.s32 s10, $0x9CC0  }
.Ltmp7:
0x40: {  	_ = 	snop;
	(pc) =	sbr.rel @p0 .LBB2_16-.Ltmp7, $3  }
0x41: {  	_ =	sdelay $0x1  }
0x42: {  	s11 =	sshra.s32 s10, $0x2;
	s10 =	sadd.s32 $0x500, s10;
	v0 =	vadd.s32 v0, v1  }
0x43: {  	v1 =	vld [tilespmem:s11+$0x0];
	[tilespmem:s11+$0x0] =	vst v0  }
0x44: {  	s11 =	simm.s32 $0x80;
	v0 =	vimm.s32 $0x0  }
0x45: {  	s10 =	simm.s32 $0x700;
	v2 =	vimm.s32 $0x0;
	v1 =	vld [tilespmem:s11+$0x0];
	[tilespmem:s11+$0x0] =	vst v0  }
.LBB2_18:
0x46: {  	p0 =	sne.s32 s10, $0x9D00  }
.Ltmp8:
0x47: {  	_ = 	snop;
	(pc) =	sbr.rel @p0 .LBB2_18-.Ltmp8, $3  }
0x48: {  	_ =	sdelay $0x1  }
0x49: {  	s11 =	sshra.s32 s10, $0x2;
	s10 =	sadd.s32 $0x500, s10;
	v2 =	vadd.s32 v2, v1  }
0x4a: {  	v1 =	vld [tilespmem:s11+$0x0];
	[tilespmem:s11+$0x0] =	vst v2  }
0x4b: {  	s11 =	simm.s32 $0x90  }
0x4c: {  	s10 =	simm.s32 $0x740;
	v1 =	vld [tilespmem:s11+$0x0];
	[tilespmem:s11+$0x0] =	vst v0  }
.LBB2_20:
0x4d: {  	p0 =	sne.s32 s10, $0x9D40  }
.Ltmp9:
0x4e: {  	_ = 	snop;
	(pc) =	sbr.rel @p0 .LBB2_20-.Ltmp9, $3  }
0x4f: {  	_ =	sdelay $0x1  }
0x50: {  	s11 =	sshra.s32 s10, $0x2;
	s10 =	sadd.s32 $0x500, s10;
	v0 =	vadd.s32 v0, v1  }
0x51: {  	v1 =	vld [tilespmem:s11+$0x0];
	[tilespmem:s11+$0x0] =	vst v0  }
0x52: {  	s11 =	simm.s32 $0xA0;
	v0 =	vimm.s32 $0x0  }
0x53: {  	s10 =	simm.s32 $0x780;
	v2 =	vimm.s32 $0x0;
	v1 =	vld [tilespmem:s11+$0x0];
	[tilespmem:s11+$0x0] =	vst v0  }
.LBB2_22:
0x54: {  	p0 =	sne.s32 s10, $0x9D80  }
.Ltmp10:
0x55: {  	_ = 	snop;
	(pc) =	sbr.rel @p0 .LBB2_22-.Ltmp10, $3  }
0x56: {  	_ =	sdelay $0x1  }
0x57: {  	s11 =	sshra.s32 s10, $0x2;
	s10 =	sadd.s32 $0x500, s10;
	v2 =	vadd.s32 v2, v1  }
0x58: {  	v1 =	vld [tilespmem:s11+$0x0];
	[tilespmem:s11+$0x0] =	vst v2  }
0x59: {  	s11 =	simm.s32 $0xB0  }
0x5a: {  	s10 =	simm.s32 $0x7C0;
	v1 =	vld [tilespmem:s11+$0x0];
	[tilespmem:s11+$0x0] =	vst v0  }
.LBB2_24:
0x5b: {  	p0 =	sne.s32 s10, $0x9DC0  }
.Ltmp11:
0x5c: {  	_ = 	snop;
	(pc) =	sbr.rel @p0 .LBB2_24-.Ltmp11, $3  }
0x5d: {  	_ =	sdelay $0x1  }
0x5e: {  	s11 =	sshra.s32 s10, $0x2;
	s10 =	sadd.s32 $0x500, s10;
	v0 =	vadd.s32 v0, v1  }
0x5f: {  	v1 =	vld [tilespmem:s11+$0x0];
	[tilespmem:s11+$0x0] =	vst v0  }
0x60: {  	s11 =	simm.s32 $0xC0;
	v0 =	vimm.s32 $0x0  }
0x61: {  	s10 =	simm.s32 $0x800;
	v2 =	vimm.s32 $0x0;
	v1 =	vld [tilespmem:s11+$0x0];
	[tilespmem:s11+$0x0] =	vst v0  }
.LBB2_26:
0x62: {  	p0 =	sne.s32 s10, $0x9E00  }
.Ltmp12:
0x63: {  	_ = 	snop;
	(pc) =	sbr.rel @p0 .LBB2_26-.Ltmp12, $3  }
0x64: {  	_ =	sdelay $0x1  }
0x65: {  	s11 =	sshra.s32 s10, $0x2;
	s10 =	sadd.s32 $0x500, s10;
	v2 =	vadd.s32 v2, v1  }
0x66: {  	v1 =	vld [tilespmem:s11+$0x0];
	[tilespmem:s11+$0x0] =	vst v2  }
0x67: {  	s11 =	simm.s32 $0xD0  }
0x68: {  	s10 =	simm.s32 $0x840;
	v1 =	vld [tilespmem:s11+$0x0];
	[tilespmem:s11+$0x0] =	vst v0  }
.LBB2_28:
0x69: {  	p0 =	sne.s32 s10, $0x9E40  }
.Ltmp13:
0x6a: {  	_ = 	snop;
	(pc) =	sbr.rel @p0 .LBB2_28-.Ltmp13, $3  }
0x6b: {  	_ =	sdelay $0x1  }
0x6c: {  	s11 =	sshra.s32 s10, $0x2;
	s10 =	sadd.s32 $0x500, s10;
	v0 =	vadd.s32 v0, v1  }
0x6d: {  	v1 =	vld [tilespmem:s11+$0x0];
	[tilespmem:s11+$0x0] =	vst v0  }
0x6e: {  	s11 =	simm.s32 $0xE0;
	v0 =	vimm.s32 $0x0  }
0x6f: {  	s10 =	simm.s32 $0x880;
	v2 =	vimm.s32 $0x0;
	v1 =	vld [tilespmem:s11+$0x0];
	[tilespmem:s11+$0x0] =	vst v0  }
.LBB2_30:
0x70: {  	p0 =	sne.s32 s10, $0x9E80  }
.Ltmp14:
0x71: {  	_ = 	snop;
	(pc) =	sbr.rel @p0 .LBB2_30-.Ltmp14, $3  }
0x72: {  	_ =	sdelay $0x1  }
0x73: {  	s11 =	sshra.s32 s10, $0x2;
	s10 =	sadd.s32 $0x500, s10;
	v2 =	vadd.s32 v2, v1  }
0x74: {  	v1 =	vld [tilespmem:s11+$0x0];
	[tilespmem:s11+$0x0] =	vst v2  }
0x75: {  	s11 =	simm.s32 $0xF0  }
0x76: {  	s10 =	simm.s32 $0x8C0;
	v1 =	vld [tilespmem:s11+$0x0];
	[tilespmem:s11+$0x0] =	vst v0  }
.LBB2_32:
0x77: {  	p0 =	sne.s32 s10, $0x9EC0  }
.Ltmp15:
0x78: {  	_ = 	snop;
	(pc) =	sbr.rel @p0 .LBB2_32-.Ltmp15, $3  }
0x79: {  	_ =	sdelay $0x1  }
0x7a: {  	s11 =	sshra.s32 s10, $0x2;
	s10 =	sadd.s32 $0x500, s10;
	v0 =	vadd.s32 v0, v1  }
0x7b: {  	v1 =	vld [tilespmem:s11+$0x0];
	[tilespmem:s11+$0x0] =	vst v0  }
0x7c: {  	s11 =	simm.s32 $0x100;
	v0 =	vimm.s32 $0x0  }
0x7d: {  	s10 =	simm.s32 $0x900;
	v2 =	vimm.s32 $0x0;
	v1 =	vld [tilespmem:s11+$0x0];
	[tilespmem:s11+$0x0] =	vst v0  }
.LBB2_34:
0x7e: {  	p0 =	sne.s32 s10, $0x9F00  }
.Ltmp16:
0x7f: {  	_ = 	snop;
	(pc) =	sbr.rel @p0 .LBB2_34-.Ltmp16, $3  }
0x80: {  	_ =	sdelay $0x1  }
0x81: {  	s11 =	sshra.s32 s10, $0x2;
	s10 =	sadd.s32 $0x500, s10;
	v2 =	vadd.s32 v2, v1  }
0x82: {  	v1 =	vld [tilespmem:s11+$0x0];
	[tilespmem:s11+$0x0] =	vst v2  }
0x83: {  	s11 =	simm.s32 $0x110  }
0x84: {  	s10 =	simm.s32 $0x940;
	v1 =	vld [tilespmem:s11+$0x0];
	[tilespmem:s11+$0x0] =	vst v0  }
.LBB2_36:
0x85: {  	p0 =	sne.s32 s10, $0x9F40  }
.Ltmp17:
0x86: {  	_ = 	snop;
	(pc) =	sbr.rel @p0 .LBB2_36-.Ltmp17, $3  }
0x87: {  	_ =	sdelay $0x1  }
0x88: {  	s11 =	sshra.s32 s10, $0x2;
	s10 =	sadd.s32 $0x500, s10;
	v0 =	vadd.s32 v0, v1  }
0x89: {  	v1 =	vld [tilespmem:s11+$0x0];
	[tilespmem:s11+$0x0] =	vst v0  }
0x8a: {  	s11 =	simm.s32 $0x120;
	v0 =	vimm.s32 $0x0  }
0x8b: {  	s10 =	simm.s32 $0x980;
	v2 =	vimm.s32 $0x0;
	v1 =	vld [tilespmem:s11+$0x0];
	[tilespmem:s11+$0x0] =	vst v0  }
.LBB2_38:
0x8c: {  	p0 =	sne.s32 s10, $0x9F80  }
.Ltmp18:
0x8d: {  	_ = 	snop;
	(pc) =	sbr.rel @p0 .LBB2_38-.Ltmp18, $3  }
0x8e: {  	_ =	sdelay $0x1  }
0x8f: {  	s11 =	sshra.s32 s10, $0x2;
	s10 =	sadd.s32 $0x500, s10;
	v2 =	vadd.s32 v2, v1  }
0x90: {  	v1 =	vld [tilespmem:s11+$0x0];
	[tilespmem:s11+$0x0] =	vst v2  }
0x91: {  	s11 =	simm.s32 $0x130  }
0x92: {  	s10 =	simm.s32 $0x9C0;
	v1 =	vld [tilespmem:s11+$0x0];
	[tilespmem:s11+$0x0] =	vst v0  }
.LBB2_40:
0x93: {  	p0 =	sne.s32 s10, $0x9FC0  }
.Ltmp19:
0x94: {  	_ = 	snop;
	(pc) =	sbr.rel @p0 .LBB2_40-.Ltmp19, $3  }
0x95: {  	_ =	sdelay $0x1  }
0x96: {  	s11 =	sshra.s32 s10, $0x2;
	s10 =	sadd.s32 $0x500, s10;
	v0 =	vadd.s32 v0, v1  }
0x97: {  	v1 =	vld [tilespmem:s11+$0x0];
	[tilespmem:s11+$0x0] =	vst v0  }
0x98: {  	s9 =	sadd.s32 $0x1, s9  }
0x99: {  	p0 =	sne.s32 s9, s5  }
.Ltmp20:
0x9a: {  	_ = 	snop;
	(pc) =	sbr.rel @p0 .LBB2_1-.Ltmp20, $4  }
0x9b: {  	[hbm4b:s4+s6] =	stream.strided.scatter [tilespmem:s2], [sflag:$0x1], $0x2800, s7, s6, $0x38;
	[tilespmem:$0x2800] =	vst v63  }
0x9c: {  	_ =	swait.ge [sflag:s8], $0x2800  }
0x9d: {  	[sflag:s8] =	ssyncset.done $0x0  }
0x9e: {  	[sflag:s8] =	ssyncadd.s32 $0xFFFFD800  }
0x9f: {  	_ =	sfence.sel $0x180000  }
0xa0: {  	[bflag:$0x0] =	sbarrier.arrive $0xFFFF  }
0xa1: {  	p0 =	sne.s32 s0, $0x0;
	_ =	strace $0x9000004A  }
0xa2: {  	s0 =	sadd.s32 @!p0 $0x100000, s1;
	[bflag:$0x2] =	sbarrier.arrive $0xFFFF  }
0xa3: {  	[sflag:s0] =	ssyncadd.tile.s32 @!p0 $0x1;
	_ =	shalt  }
.Lfunc_end2:
_tile_overlayer_lowered:
.L_overlay_start_2:
0xa4: {  	(tag) =	ssettag $0x2  }
0xa5: {  	s0 =	rddreg [dreg:$0x0];
	s2 =	stileid.u32  }
0xa6: {  	s1 =	rddreg [dreg:$0x1];
	p0 =	sne.s32 s2, $0x0  }
0xa7: {  	s3 =	rddreg [dreg:$0x2];
	[bflag:$0x3] =	sbarrier.arrive $0xFFFF;
	s2 =	simm.s32 @!p0 $0x1C01  }
0xa8: {  	[timem:s3], [sflag:s2] =	dma.local @!p0 [hbm:s0], s1  }
0xa9: {  	s0 =	simm.s32 @!p0 $0x1  }
0xaa: {  	_ =	swait.ge @!p0 [sflag:s0], s1  }
0xab: {  	s1 =	ssub.s32 @!p0 $0x0, s1;
	[sflag:s0] =	ssyncset.done @!p0 $0x0  }
0xac: {  	[sflag:s0] =	ssyncadd.s32 @!p0 s1  }
0xad: {  	[bflag:$0x3] =	sbarrier.arrive $0xFFFF  }
0xae: {  	_ =	shalt  }

</sc_bundles>
